<compile_context>
chip_gen: v7x
topology: tpu7x:2x2x1
jax: 0.10.2.dev20260603
libtpu: 0.0.44.dev20260713+nightly
codegen_flags: <defaults>
</compile_context>

<pallas_src>
import functools

import jax
import jax.numpy as jnp
from jax import lax
from jax.experimental import pallas as pl
from jax.experimental.pallas import tpu as pltpu
from jax.experimental.pallas import tpu_sc as plsc

_NC = 2
_NS = 16
_CHUNK = 128
_RING = 4
_GRP = 8
_G = 64
_BN = 1000


@functools.lru_cache(maxsize=None)
def _make_deg_kernel(Ep, R):
    cpt = Ep // _NS // _CHUNK
    rpt = R // _NS
    mesh = plsc.VectorSubcoreMesh(core_axis_name="c", subcore_axis_name="s")

    @functools.partial(
        pl.kernel,
        out_type=[jax.ShapeDtypeStruct((R,), jnp.float32)] * 2,
        mesh=mesh,
        scratch_types=[
            pltpu.VMEM((cpt, _CHUNK), jnp.int32),
            pltpu.VMEM((_CHUNK,), jnp.float32),
            pltpu.VMEM((rpt,), jnp.float32),
            pltpu.VMEM_SHARED((R,), jnp.float32),
            pltpu.SemaphoreType.DMA,
            pltpu.SemaphoreType.DMA,
            pltpu.SemaphoreType.DMA,
            pltpu.SemaphoreType.DMA,
        ],
    )
    def k(dst1_hbm, dst2_hbm, deg1_hbm, deg2_hbm,
          dst_t, ones_v, zbuf_v, deg_sh, s0, s1, s2, s3):
        c = lax.axis_index("c")
        s = lax.axis_index("s")
        sems = [s0, s1, s2, s3]
        for g in range(_CHUNK // 16):
            ones_v[pl.ds(g * 16, 16)] = jnp.ones((16,), jnp.float32)

        def zfill(i, carry):
            zbuf_v[pl.ds(i * 16, 16)] = jnp.zeros((16,), jnp.float32)
            return carry
        lax.fori_loop(0, rpt // 16, zfill, 0)
        pltpu.sync_copy(zbuf_v, deg_sh.at[pl.ds(s * rpt, rpt)])
        plsc.subcore_barrier()

        def scatter(dst_hbm):
            pltpu.sync_copy(dst_hbm.at[pl.ds(s * cpt, cpt)], dst_t)

            def body(i, carry):
                pltpu.sync_copy(ones_v, deg_sh.at[dst_t.at[i]], add=True)
                return carry
            lax.fori_loop(0, cpt, body, 0)

        @pl.when(c == 0)
        def _():
            scatter(dst1_hbm)

        @pl.when(c == 1)
        def _():
            scatter(dst2_hbm)

        plsc.subcore_barrier()

        @pl.when(c == 0)
        def _():
            pltpu.sync_copy(deg_sh.at[pl.ds(s * rpt, rpt)],
                            deg1_hbm.at[pl.ds(s * rpt, rpt)])

        @pl.when(c == 1)
        def _():
            pltpu.sync_copy(deg_sh.at[pl.ds(s * rpt, rpt)],
                            deg2_hbm.at[pl.ds(s * rpt, rpt)])

    return k


def _y_body(x1_ref, w1_ref, deg1_ref, x2_ref, w2_ref, deg2_ref,
            y1_ref, y2_ref):
    d1 = lax.rsqrt(deg1_ref[...] + 1.0)
    y1_ref[...] = d1 * jnp.dot(x1_ref[...], w1_ref[...],
                               preferred_element_type=jnp.float32)
    d2 = lax.rsqrt(deg2_ref[...] + 1.0)
    y2_ref[...] = d2 * jnp.dot(x2_ref[...], w2_ref[...],
                               preferred_element_type=jnp.float32)


def _y_call(x1, w1, deg1, x2, w2, deg2):
    n, d = x1.shape
    nb = n // _BN
    row_blk = pl.BlockSpec((_BN, d), lambda i: (i, 0))
    deg_blk = pl.BlockSpec((_BN, 1), lambda i: (i, 0))
    full = pl.BlockSpec((d, d), lambda i: (0, 0))
    return pl.pallas_call(
        _y_body,
        grid=(nb,),
        in_specs=[row_blk, full, deg_blk, row_blk, full, deg_blk],
        out_specs=[row_blk, row_blk],
        out_shape=[jax.ShapeDtypeStruct((n, d), jnp.float32)] * 2,
    )(x1, w1, deg1, x2, w2, deg2)


@functools.lru_cache(maxsize=None)
def _make_edge_kernel(N, Ep, R):
    cpt = Ep // _NS // _CHUNK
    ngrp = cpt // _GRP
    rpt = R // _NS
    mesh = plsc.VectorSubcoreMesh(core_axis_name="c", subcore_axis_name="s")

    @functools.partial(
        pl.kernel,
        out_type=[jax.ShapeDtypeStruct((R, 128), jnp.float32)] * 2,
        mesh=mesh,
        scratch_types=[
            pltpu.VMEM((_CHUNK,), jnp.int32),
            pltpu.VMEM((_CHUNK,), jnp.int32),
            pltpu.VMEM((_CHUNK, 128), jnp.float32),
            pltpu.VMEM_SHARED((R, 128), jnp.float32),
            pltpu.SemaphoreType.DMA,
        ],
    )
    def k(y1_hbm, y2_hbm, src1_hbm, dst1_hbm, src2_hbm, dst2_hbm, zeros_hbm,
          agg1_hbm, agg2_hbm, src_v, dst_v, rows_v, agg_sh, sem):
        c = lax.axis_index("c")
        s = lax.axis_index("s")
        pltpu.sync_copy(zeros_hbm, agg_sh.at[pl.ds(s * rpt, rpt)])
        plsc.subcore_barrier()

        def run(y_hbm, src_hbm, dst_hbm):
            ept = cpt * _CHUNK

            def body(ki, carry):
                base = s * ept + ki * _CHUNK
                pltpu.sync_copy(src_hbm.at[pl.ds(base, _CHUNK)], src_v)
                pltpu.sync_copy(dst_hbm.at[pl.ds(base, _CHUNK)], dst_v)
                pltpu.async_copy(y_hbm.at[src_v], rows_v, sem).wait()
                pltpu.sync_copy(rows_v, agg_sh.at[dst_v], add=True)
                return carry
            lax.fori_loop(0, cpt, body, 0)

        @pl.when(c == 0)
        def _():
            run(y1_hbm, src1_hbm, dst1_hbm)

        @pl.when(c == 1)
        def _():
            run(y2_hbm, src2_hbm, dst2_hbm)

        plsc.subcore_barrier()

        @pl.when(c == 0)
        def _():
            pltpu.sync_copy(agg_sh.at[pl.ds(s * rpt, rpt)],
                            agg1_hbm.at[pl.ds(s * rpt, rpt)])

        @pl.when(c == 1)
        def _():
            pltpu.sync_copy(agg_sh.at[pl.ds(s * rpt, rpt)],
                            agg2_hbm.at[pl.ds(s * rpt, rpt)])

    return k


def _leaky(v):
    return jnp.where(v >= 0, v, 0.01 * v)


def _final_body(batch1_ref, agg1_ref, y1_ref, deg1_ref, b1_ref,
                fc1w_ref, fc1b_ref,
                batch2_ref, agg2_ref, y2_ref, deg2_ref, b2_ref,
                fc2w_ref, fc2b_ref,
                fw_ref, fb_ref, out_ref, p1, c1, p2, c2):
    i = pl.program_id(0)

    @pl.when(i == 0)
    def _():
        p1[...] = jnp.zeros_like(p1)
        c1[...] = jnp.zeros_like(c1)
        p2[...] = jnp.zeros_like(p2)
        c2[...] = jnp.zeros_like(c2)

    def acc(batch_ref, agg_ref, y_ref, deg_ref, b_ref, p, c):
        dinv = lax.rsqrt(deg_ref[...] + 1.0)
        vals = _leaky(dinv * (agg_ref[...] + y_ref[...]) + b_ref[...])
        bt = batch_ref[0]
        oh = (bt == lax.broadcasted_iota(jnp.int32, (_G, _BN), 0)
              ).astype(jnp.float32)
        p[...] += jnp.dot(oh, vals, preferred_element_type=jnp.float32)
        c[...] += jnp.sum(oh, axis=1, keepdims=True)

    acc(batch1_ref, agg1_ref, y1_ref, deg1_ref, b1_ref, p1, c1)
    acc(batch2_ref, agg2_ref, y2_ref, deg2_ref, b2_ref, p2, c2)

    @pl.when(i == pl.num_programs(0) - 1)
    def _():
        m1 = p1[...] / jnp.clip(c1[...], 1.0, None)
        h1 = _leaky(jnp.dot(m1, fc1w_ref[...],
                            preferred_element_type=jnp.float32) + fc1b_ref[...])
        m2 = p2[...] / jnp.clip(c2[...], 1.0, None)
        h2 = _leaky(jnp.dot(m2, fc2w_ref[...],
                            preferred_element_type=jnp.float32) + fc2b_ref[...])
        comb = jnp.concatenate([h1, h2], axis=1)
        out_ref[...] = jnp.dot(comb, fw_ref[...],
                               preferred_element_type=jnp.float32) + fb_ref[...]


def _final_call(batch1, agg1, y1, deg1, b1, fc1w, fc1b,
                batch2, agg2, y2, deg2, b2, fc2w, fc2b, fw, fb):
    n, d = y1.shape
    nb = n // _BN
    out2 = fw.shape[0]
    row_blk = pl.BlockSpec((_BN, d), lambda i: (i, 0))
    deg_blk = pl.BlockSpec((_BN, 1), lambda i: (i, 0))
    batch_blk = pl.BlockSpec((1, 1, _BN), lambda i: (i, 0, 0))
    bias_blk = pl.BlockSpec((1, d), lambda i: (0, 0))
    w_blk = pl.BlockSpec((d, d), lambda i: (0, 0))
    fw_blk = pl.BlockSpec((out2, 1), lambda i: (0, 0))
    fb_blk = pl.BlockSpec((1, 1), lambda i: (0, 0))
    out_blk = pl.BlockSpec((_G, 1), lambda i: (0, 0))
    return pl.pallas_call(
        _final_body,
        grid=(nb,),
        in_specs=[batch_blk, row_blk, row_blk, deg_blk, bias_blk, w_blk,
                  bias_blk,
                  batch_blk, row_blk, row_blk, deg_blk, bias_blk, w_blk,
                  bias_blk, fw_blk, fb_blk],
        out_specs=out_blk,
        out_shape=jax.ShapeDtypeStruct((_G, 1), jnp.float32),
        scratch_shapes=[pltpu.VMEM((_G, d), jnp.float32),
                        pltpu.VMEM((_G, 1), jnp.float32),
                        pltpu.VMEM((_G, d), jnp.float32),
                        pltpu.VMEM((_G, 1), jnp.float32)],
    )(batch1, agg1, y1, deg1, b1, fc1w, fc1b,
      batch2, agg2, y2, deg2, b2, fc2w, fc2b, fw, fb)


def kernel(pro1_x, pro1_edge_index, pro1_batch, pro2_x, pro2_edge_index,
           pro2_batch, mas1_straight, mas1_flipped, mas2_straight,
           mas2_flipped, W1, b1, fc1_W, fc1_b, W2, b2, fc2_W, fc2_b,
           final_W, final_b):
    n, d = pro1_x.shape
    e = pro1_edge_index.shape[1]

    quant = _NS * 2 * _GRP * _CHUNK
    ep = -(-e // quant) * quant
    pad = ep - e
    r_deg = -(-(n + 1) // (_NS * 16)) * (_NS * 16)
    r_edge = -(-(n + 1) // (_NS * 8)) * (_NS * 8)

    def pad_edges(edge_index):
        src = jnp.concatenate(
            [edge_index[0], jnp.zeros((pad,), jnp.int32)])
        dst = jnp.concatenate(
            [edge_index[1], jnp.full((pad,), n, jnp.int32)])
        return src, dst

    src1, dst1 = pad_edges(pro1_edge_index)
    src2, dst2 = pad_edges(pro2_edge_index)
    dst1_2d = dst1.reshape(ep // _CHUNK, _CHUNK)
    dst2_2d = dst2.reshape(ep // _CHUNK, _CHUNK)

    zeros128 = jnp.zeros((r_deg // _NS, d), jnp.float32)

    degf_1, degf_2 = _make_deg_kernel(ep, r_deg)(dst1_2d, dst2_2d)
    deg1 = degf_1[:n, None]
    deg2 = degf_2[:n, None]

    y1, y2 = _y_call(pro1_x, W1, deg1, pro2_x, W2, deg2)

    agg1, agg2 = _make_edge_kernel(n, ep, r_deg)(
        y1, y2, src1, dst1, src2, dst2, zeros128)

    batch1 = pro1_batch.reshape(n // _BN, 1, _BN)
    batch2 = pro2_batch.reshape(n // _BN, 1, _BN)

    return _final_call(
        batch1, agg1, y1, deg1, b1.reshape(1, d), fc1_W, fc1_b.reshape(1, d),
        batch2, agg2, y2, deg2, b2.reshape(1, d), fc2_W, fc2_b.reshape(1, d),
        final_W, final_b.reshape(1, 1))

# --- scband reference (transcript-rebuilt; emitter-appended) ---
"""Pipeline reference for scband-gcnn-26688926777484 (READ-ONLY COPY).

The authoritative reference and input builder live on the scoring server;
editing this copy changes nothing except your own understanding.
"""

import jax, jax.numpy as jnp
import numpy as np

N = 10000
E = 320000
D = 128
OUT = 128
G = 64


def setup_inputs(seed: int = 0) -> dict:
    key = jax.random.key(seed)
    ks = jax.random.split(key, 20)
    inp = {}
    inp["pro1_x"] = jax.random.normal(ks[0], (N, D), dtype=jnp.float32)
    inp["pro1_edge_index"] = jax.random.randint(ks[1], (2, E), 0, N, dtype=jnp.int32)
    inp["pro1_batch"] = jnp.sort(jax.random.randint(ks[2], (N,), 0, G, dtype=jnp.int32))
    inp["pro2_x"] = jax.random.normal(ks[3], (N, D), dtype=jnp.float32)
    inp["pro2_edge_index"] = jax.random.randint(ks[4], (2, E), 0, N, dtype=jnp.int32)
    inp["pro2_batch"] = jnp.sort(jax.random.randint(ks[5], (N,), 0, G, dtype=jnp.int32))
    inp["mas1_straight"] = jnp.zeros((1,), jnp.float32)
    inp["mas1_flipped"] = jnp.zeros((1,), jnp.float32)
    inp["mas2_straight"] = jnp.zeros((1,), jnp.float32)
    inp["mas2_flipped"] = jnp.zeros((1,), jnp.float32)
    # learned parameters
    inp["W1"] = jax.random.normal(ks[6], (D, D), dtype=jnp.float32) * 0.05
    inp["b1"] = jnp.zeros((D,), jnp.float32)
    inp["fc1_W"] = jax.random.normal(ks[7], (D, OUT), dtype=jnp.float32) * 0.05
    inp["fc1_b"] = jnp.zeros((OUT,), jnp.float32)
    inp["W2"] = jax.random.normal(ks[8], (D, D), dtype=jnp.float32) * 0.05
    inp["b2"] = jnp.zeros((D,), jnp.float32)
    inp["fc2_W"] = jax.random.normal(ks[9], (D, OUT), dtype=jnp.float32) * 0.05
    inp["fc2_b"] = jnp.zeros((OUT,), jnp.float32)
    inp["final_W"] = jax.random.normal(ks[10], (2 * OUT, 1), dtype=jnp.float32) * 0.05
    inp["final_b"] = jnp.zeros((1,), jnp.float32)
    return inp


def leaky_relu(v):
    return jnp.where(v >= 0, v, 0.01 * v)


def gcn_conv(x, edge_index, W, b):
    # GCNConv: x' = D^{-1/2} (A + I) D^{-1/2} X W + b
    n = x.shape[0]
    src = edge_index[0]
    dst = edge_index[1]
    loop = jnp.arange(n, dtype=src.dtype)
    src = jnp.concatenate([src, loop])
    dst = jnp.concatenate([dst, loop])
    deg = jnp.zeros((n,), jnp.float32).at[dst].add(1.0)
    dinv = jnp.where(deg > 0, 1.0 / jnp.sqrt(deg), 0.0)
    norm = dinv[src] * dinv[dst]
    xw = x @ W
    msg = xw[src] * norm[:, None]
    out = jnp.zeros((n, xw.shape[1]), jnp.float32).at[dst].add(msg)
    return out + b


def global_mean_pool(x, batch, num_segments):
    s = jax.ops.segment_sum(x, batch, num_segments=num_segments)
    cnt = jax.ops.segment_sum(jnp.ones((x.shape[0],), jnp.float32), batch, num_segments=num_segments)
    return s / jnp.clip(cnt, 1.0, None)[:, None]


def reference(pro1_x, pro1_edge_index, pro1_batch, pro2_x, pro2_edge_index, pro2_batch,
              mas1_straight, mas1_flipped, mas2_straight, mas2_flipped,
              W1, b1, fc1_W, fc1_b, W2, b2, fc2_W, fc2_b, final_W, final_b):
    # mas* args are unused in the original forward
    x = gcn_conv(pro1_x, pro1_edge_index, W1, b1)
    x = leaky_relu(x)
    x = global_mean_pool(x, pro1_batch, G)
    x = leaky_relu(x @ fc1_W + fc1_b)
    # dropout is identity in eval mode
    xt = gcn_conv(pro2_x, pro2_edge_index, W2, b2)
    xt = leaky_relu(xt)
    xt = global_mean_pool(xt, pro2_batch, G)
    xt = leaky_relu(xt @ fc2_W + fc2_b)
    combined = jnp.concatenate([x, xt], axis=1)
    out = combined @ final_W + final_b
    return out

if __name__ == "__main__":
    import jax
    _d = setup_inputs()
    print(jax.jit(kernel)(*tuple(_d.values())))

</pallas_src>

<mosaic_0001>
#map = affine_map<(d0, d1) -> (0, 0)>
#map1 = affine_map<(d0, d1) -> (0)>
module attributes {stable_mosaic.version = 14 : i64} {
  func.func @k(%arg0: i32, %arg1: i32, %arg2: memref<2560x128xi32, #tpu.memory_space<hbm>>, %arg3: memref<2560x128xi32, #tpu.memory_space<hbm>>, %arg4: memref<10240xf32, #tpu.memory_space<hbm>>, %arg5: memref<10240xf32, #tpu.memory_space<hbm>>, %arg6: memref<160x128xi32, #tpu.memory_space<vmem>>, %arg7: memref<128xf32, #tpu.memory_space<vmem>>, %arg8: memref<640xf32, #tpu.memory_space<vmem>>, %arg9: memref<10240xf32, #tpu.memory_space<vmem_shared>>, %arg10: memref<!tpu.dma_semaphore, #tpu.memory_space<semaphore_mem>>, %arg11: memref<!tpu.dma_semaphore, #tpu.memory_space<semaphore_mem>>, %arg12: memref<!tpu.dma_semaphore, #tpu.memory_space<semaphore_mem>>, %arg13: memref<!tpu.dma_semaphore, #tpu.memory_space<semaphore_mem>>) attributes {dimension_semantics = [#tpu.dimension_semantics<core_parallel>, #tpu.dimension_semantics<subcore_parallel>], iteration_bounds = array<i64: 2, 16>, scalar_prefetch = 0 : i64, scratch_operands = 8 : i64, tpu.core_type = #tpu.core_type<sc_vector_subcore>, window_params = [{transform_indices = #map}, {transform_indices = #map}, {transform_indices = #map1}, {transform_indices = #map1}]} {
    %broadcast_in_dim3A = arith.constant 1.000000e+00 : f32
    %broadcast_in_dim3A_0 = vector.broadcast %broadcast_in_dim3A : f32 to vector<16xf32>
    %swap3A = arith.constant 0 : index
    %swap3A_1 = tpu.vector_load %arg7[%swap3A] {strides = array<i32>} : memref<128xf32, #tpu.memory_space<vmem>>, vector<16xf32>,
    %swap3A_2 = vector.shape_cast %swap3A_1 : vector<16xf32> to vector<16xf32>
    %swap3A_3 = vector.shape_cast %broadcast_in_dim3A_0 : vector<16xf32> to vector<16xf32>
    tpu.vector_store %arg7[%swap3A], %swap3A_3 {strides = array<i32>} : memref<128xf32, #tpu.memory_space<vmem>>, vector<16xf32>,
    %broadcast_in_dim3A_4 = arith.constant 1.000000e+00 : f32
    %broadcast_in_dim3A_5 = vector.broadcast %broadcast_in_dim3A_4 : f32 to vector<16xf32>
    %swap3A_6 = arith.constant 16 : index
    %swap3A_7 = tpu.vector_load %arg7[%swap3A_6] {strides = array<i32>} : memref<128xf32, #tpu.memory_space<vmem>>, vector<16xf32>,
    %swap3A_8 = vector.shape_cast %swap3A_7 : vector<16xf32> to vector<16xf32>
    %swap3A_9 = vector.shape_cast %broadcast_in_dim3A_5 : vector<16xf32> to vector<16xf32>
    tpu.vector_store %arg7[%swap3A_6], %swap3A_9 {strides = array<i32>} : memref<128xf32, #tpu.memory_space<vmem>>, vector<16xf32>,
    %broadcast_in_dim3A_10 = arith.constant 1.000000e+00 : f32
    %broadcast_in_dim3A_11 = vector.broadcast %broadcast_in_dim3A_10 : f32 to vector<16xf32>
    %swap3A_12 = arith.constant 32 : index
    %swap3A_13 = tpu.vector_load %arg7[%swap3A_12] {strides = array<i32>} : memref<128xf32, #tpu.memory_space<vmem>>, vector<16xf32>,
    %swap3A_14 = vector.shape_cast %swap3A_13 : vector<16xf32> to vector<16xf32>
    %swap3A_15 = vector.shape_cast %broadcast_in_dim3A_11 : vector<16xf32> to vector<16xf32>
    tpu.vector_store %arg7[%swap3A_12], %swap3A_15 {strides = array<i32>} : memref<128xf32, #tpu.memory_space<vmem>>, vector<16xf32>,
    %broadcast_in_dim3A_16 = arith.constant 1.000000e+00 : f32
    %broadcast_in_dim3A_17 = vector.broadcast %broadcast_in_dim3A_16 : f32 to vector<16xf32>
    %swap3A_18 = arith.constant 48 : index
    %swap3A_19 = tpu.vector_load %arg7[%swap3A_18] {strides = array<i32>} : memref<128xf32, #tpu.memory_space<vmem>>, vector<16xf32>,
    %swap3A_20 = vector.shape_cast %swap3A_19 : vector<16xf32> to vector<16xf32>
    %swap3A_21 = vector.shape_cast %broadcast_in_dim3A_17 : vector<16xf32> to vector<16xf32>
    tpu.vector_store %arg7[%swap3A_18], %swap3A_21 {strides = array<i32>} : memref<128xf32, #tpu.memory_space<vmem>>, vector<16xf32>,
    %broadcast_in_dim3A_22 = arith.constant 1.000000e+00 : f32
    %broadcast_in_dim3A_23 = vector.broadcast %broadcast_in_dim3A_22 : f32 to vector<16xf32>
    %swap3A_24 = arith.constant 64 : index
    %swap3A_25 = tpu.vector_load %arg7[%swap3A_24] {strides = array<i32>} : memref<128xf32, #tpu.memory_space<vmem>>, vector<16xf32>,
    %swap3A_26 = vector.shape_cast %swap3A_25 : vector<16xf32> to vector<16xf32>
    %swap3A_27 = vector.shape_cast %broadcast_in_dim3A_23 : vector<16xf32> to vector<16xf32>
    tpu.vector_store %arg7[%swap3A_24], %swap3A_27 {strides = array<i32>} : memref<128xf32, #tpu.memory_space<vmem>>, vector<16xf32>,
    %broadcast_in_dim3A_28 = arith.constant 1.000000e+00 : f32
    %broadcast_in_dim3A_29 = vector.broadcast %broadcast_in_dim3A_28 : f32 to vector<16xf32>
    %swap3A_30 = arith.constant 80 : index
    %swap3A_31 = tpu.vector_load %arg7[%swap3A_30] {strides = array<i32>} : memref<128xf32, #tpu.memory_space<vmem>>, vector<16xf32>,
    %swap3A_32 = vector.shape_cast %swap3A_31 : vector<16xf32> to vector<16xf32>
    %swap3A_33 = vector.shape_cast %broadcast_in_dim3A_29 : vector<16xf32> to vector<16xf32>
    tpu.vector_store %arg7[%swap3A_30], %swap3A_33 {strides = array<i32>} : memref<128xf32, #tpu.memory_space<vmem>>, vector<16xf32>,
    %broadcast_in_dim3A_34 = arith.constant 1.000000e+00 : f32
    %broadcast_in_dim3A_35 = vector.broadcast %broadcast_in_dim3A_34 : f32 to vector<16xf32>
    %swap3A_36 = arith.constant 96 : index
    %swap3A_37 = tpu.vector_load %arg7[%swap3A_36] {strides = array<i32>} : memref<128xf32, #tpu.memory_space<vmem>>, vector<16xf32>,
    %swap3A_38 = vector.shape_cast %swap3A_37 : vector<16xf32> to vector<16xf32>
    %swap3A_39 = vector.shape_cast %broadcast_in_dim3A_35 : vector<16xf32> to vector<16xf32>
    tpu.vector_store %arg7[%swap3A_36], %swap3A_39 {strides = array<i32>} : memref<128xf32, #tpu.memory_space<vmem>>, vector<16xf32>,
    %broadcast_in_dim3A_40 = arith.constant 1.000000e+00 : f32
    %broadcast_in_dim3A_41 = vector.broadcast %broadcast_in_dim3A_40 : f32 to vector<16xf32>
    %swap3A_42 = arith.constant 112 : index
    %swap3A_43 = tpu.vector_load %arg7[%swap3A_42] {strides = array<i32>} : memref<128xf32, #tpu.memory_space<vmem>>, vector<16xf32>,
    %swap3A_44 = vector.shape_cast %swap3A_43 : vector<16xf32> to vector<16xf32>
    %swap3A_45 = vector.shape_cast %broadcast_in_dim3A_41 : vector<16xf32> to vector<16xf32>
    tpu.vector_store %arg7[%swap3A_42], %swap3A_45 {strides = array<i32>} : memref<128xf32, #tpu.memory_space<vmem>>, vector<16xf32>,
    %scan3A = arith.constant 0 : i32
    %scan3A_46 = arith.constant 0 : i32
    %scan3A_47 = arith.constant 40 : i32
    %scan3A_48 = arith.addi %scan3A_46, %scan3A_47 : i32
    %scan3A_49 = arith.constant 1 : i32
    scf.for %scan3A_70 = %scan3A_46 to %scan3A_48 step %scan3A_49  : i32 {
      %broadcast_in_dim3A_71 = arith.constant 0.000000e+00 : f32
      %broadcast_in_dim3A_72 = vector.broadcast %broadcast_in_dim3A_71 : f32 to vector<16xf32>
      %mul3A_73 = arith.constant 16 : i32
      %mul3A_74 = arith.muli %scan3A_70, %mul3A_73 : i32
      %swap3A_75 = arith.index_cast %mul3A_74 : i32 to index
      %swap3A_76 = tpu.vector_load %arg8[%swap3A_75] {strides = array<i32>} : memref<640xf32, #tpu.memory_space<vmem>>, vector<16xf32>,
      %swap3A_77 = vector.shape_cast %swap3A_76 : vector<16xf32> to vector<16xf32>
      %swap3A_78 = vector.shape_cast %broadcast_in_dim3A_72 : vector<16xf32> to vector<16xf32>
      tpu.vector_store %arg8[%swap3A_75], %swap3A_78 {strides = array<i32>} : memref<640xf32, #tpu.memory_space<vmem>>, vector<16xf32>,
    }
    %scan3A_50 = arith.constant 40 : i32
    %mul3A = arith.constant 640 : i32
    %mul3A_51 = arith.muli %arg1, %mul3A : i32
    "tpu.region"() ({
      %run_scoped3A = tpu.sem_alloc : memref<!tpu.dma_semaphore, #tpu.memory_space<semaphore_mem>>
      %dma_start3A = tpu.memref_slice %arg9[%mul3A_51] : memref<10240xf32, #tpu.memory_space<vmem_shared>> -> memref<640xf32, #tpu.memory_space<vmem_shared>>
      %dma_start3A_70 = tpu.memref_slice %arg9[%mul3A_51] : memref<10240xf32, #tpu.memory_space<vmem_shared>> -> memref<640xf32, #tpu.memory_space<vmem_shared>>
      tpu.enqueue_dma source(%arg8 : memref<640xf32, #tpu.memory_space<vmem>>) target(%dma_start3A_70 : memref<640xf32, #tpu.memory_space<vmem_shared>>) target_semaphore(%run_scoped3A : memref<!tpu.dma_semaphore, #tpu.memory_space<semaphore_mem>>)
      %dma_wait3A = tpu.memref_slice %arg9[%mul3A_51] : memref<10240xf32, #tpu.memory_space<vmem_shared>> -> memref<640xf32, #tpu.memory_space<vmem_shared>>
      %dma_wait3A_71 = tpu.memref_slice %arg9[%mul3A_51] : memref<10240xf32, #tpu.memory_space<vmem_shared>> -> memref<640xf32, #tpu.memory_space<vmem_shared>>
      tpu.wait_dma2 semaphore(%run_scoped3A : memref<!tpu.dma_semaphore, #tpu.memory_space<semaphore_mem>>) src(%arg8 : memref<640xf32, #tpu.memory_space<vmem>>) dst(%dma_wait3A_71 : memref<640xf32, #tpu.memory_space<vmem_shared>>)
      tpu.yield
    }) : () -> ()
    %barrier3A = arith.constant 0 : index
    tpu.barrier barrier_id(%barrier3A)
    %eq3A = arith.constant 0 : i32
    %eq3A_52 = arith.cmpi eq, %arg0, %eq3A : i32
    %convert_element_type3A = arith.extui %eq3A_52 : i1 to i32
    %cond3A = arith.constant 0 : i32
    %cond3A_53 = arith.cmpi ne, %convert_element_type3A, %cond3A : i32
    scf.if %cond3A_53 {
      %mul3A_70 = arith.constant 160 : i32
      %mul3A_71 = arith.muli %arg1, %mul3A_70 : i32
      "tpu.region"() ({
        %run_scoped3A = tpu.sem_alloc : memref<!tpu.dma_semaphore, #tpu.memory_space<semaphore_mem>>
        %dma_start3A = arith.constant 0 : i32
        %dma_start3A_78 = tpu.memref_slice %arg2[%mul3A_71, %dma_start3A] : memref<2560x128xi32, #tpu.memory_space<hbm>> -> memref<160x128xi32, #tpu.memory_space<hbm>>
        %dma_start3A_79 = arith.constant 0 : i32
        %dma_start3A_80 = tpu.memref_slice %arg2[%mul3A_71, %dma_start3A_79] : memref<2560x128xi32, #tpu.memory_space<hbm>> -> memref<160x128xi32, #tpu.memory_space<hbm>>
        tpu.enqueue_dma source(%dma_start3A_80 : memref<160x128xi32, #tpu.memory_space<hbm>>) target(%arg6 : memref<160x128xi32, #tpu.memory_space<vmem>>) target_semaphore(%run_scoped3A : memref<!tpu.dma_semaphore, #tpu.memory_space<semaphore_mem>>)
        %dma_wait3A = arith.constant 0 : i32
        %dma_wait3A_81 = tpu.memref_slice %arg2[%mul3A_71, %dma_wait3A] : memref<2560x128xi32, #tpu.memory_space<hbm>> -> memref<160x128xi32, #tpu.memory_space<hbm>>
        %dma_wait3A_82 = arith.constant 0 : i32
        %dma_wait3A_83 = tpu.memref_slice %arg2[%mul3A_71, %dma_wait3A_82] : memref<2560x128xi32, #tpu.memory_space<hbm>> -> memref<160x128xi32, #tpu.memory_space<hbm>>
        tpu.wait_dma2 semaphore(%run_scoped3A : memref<!tpu.dma_semaphore, #tpu.memory_space<semaphore_mem>>) src(%dma_wait3A_83 : memref<160x128xi32, #tpu.memory_space<hbm>>) dst(%arg6 : memref<160x128xi32, #tpu.memory_space<vmem>>)
        tpu.yield
      }) : () -> ()
      %scan3A_72 = arith.constant 0 : i32
      %scan3A_73 = arith.constant 0 : i32
      %scan3A_74 = arith.constant 160 : i32
      %scan3A_75 = arith.addi %scan3A_73, %scan3A_74 : i32
      %scan3A_76 = arith.constant 1 : i32
      scf.for %scan3A_78 = %scan3A_73 to %scan3A_75 step %scan3A_76  : i32 {
        "tpu.region"() ({
          %run_scoped3A = tpu.sem_alloc : memref<!tpu.dma_semaphore, #tpu.memory_space<semaphore_mem>>
          %dma_start3A = arith.constant 0 : i32
          %dma_start3A_79 = tpu.memref_slice %arg6[%scan3A_78, %dma_start3A] : memref<160x128xi32, #tpu.memory_space<vmem>> -> memref<1x128xi32, #tpu.memory_space<vmem>>
          %dma_start3A_80 = tpu.memref_squeeze %dma_start3A_79 : memref<1x128xi32, #tpu.memory_space<vmem>> -> memref<128xi32, #tpu.memory_space<vmem>>
          %dma_start3A_81 = arith.constant 0 : i32
          %dma_start3A_82 = tpu.memref_slice %arg9[%dma_start3A_81] : memref<10240xf32, #tpu.memory_space<vmem_shared>> -> memref<10240xf32, #tpu.memory_space<vmem_shared>>
          tpu.enqueue_indirect_dma source(%arg7 : memref<128xf32, #tpu.memory_space<vmem>>) target(%dma_start3A_82 : memref<10240xf32, #tpu.memory_space<vmem_shared>>) offsets(%dma_start3A_80 : memref<128xi32, #tpu.memory_space<vmem>>) semaphore(%run_scoped3A : memref<!tpu.dma_semaphore, #tpu.memory_space<semaphore_mem>>) {add = true}
          %dma_wait3A = arith.constant 0 : i32
          %dma_wait3A_83 = tpu.memref_slice %arg6[%scan3A_78, %dma_wait3A] : memref<160x128xi32, #tpu.memory_space<vmem>> -> memref<1x128xi32, #tpu.memory_space<vmem>>
          %dma_wait3A_84 = tpu.memref_squeeze %dma_wait3A_83 : memref<1x128xi32, #tpu.memory_space<vmem>> -> memref<128xi32, #tpu.memory_space<vmem>>
          %dma_wait3A_85 = arith.constant 0 : i32
          %dma_wait3A_86 = tpu.memref_slice %arg9[%dma_wait3A_85] : memref<10240xf32, #tpu.memory_space<vmem_shared>> -> memref<10240xf32, #tpu.memory_space<vmem_shared>>
          tpu.wait_indirect_dma semaphore(%run_scoped3A : memref<!tpu.dma_semaphore, #tpu.memory_space<semaphore_mem>>) src(%arg7 : memref<128xf32, #tpu.memory_space<vmem>>) dst(%dma_wait3A_86 : memref<10240xf32, #tpu.memory_space<vmem_shared>>)
          tpu.yield
        }) : () -> ()
      }
      %scan3A_77 = arith.constant 160 : i32
    } else {
    }
    %eq3A_54 = arith.constant 1 : i32
    %eq3A_55 = arith.cmpi eq, %arg0, %eq3A_54 : i32
    %convert_element_type3A_56 = arith.extui %eq3A_55 : i1 to i32
    %cond3A_57 = arith.constant 0 : i32
    %cond3A_58 = arith.cmpi ne, %convert_element_type3A_56, %cond3A_57 : i32
    scf.if %cond3A_58 {
      %mul3A_70 = arith.constant 160 : i32
      %mul3A_71 = arith.muli %arg1, %mul3A_70 : i32
      "tpu.region"() ({
        %run_scoped3A = tpu.sem_alloc : memref<!tpu.dma_semaphore, #tpu.memory_space<semaphore_mem>>
        %dma_start3A = arith.constant 0 : i32
        %dma_start3A_78 = tpu.memref_slice %arg3[%mul3A_71, %dma_start3A] : memref<2560x128xi32, #tpu.memory_space<hbm>> -> memref<160x128xi32, #tpu.memory_space<hbm>>
        %dma_start3A_79 = arith.constant 0 : i32
        %dma_start3A_80 = tpu.memref_slice %arg3[%mul3A_71, %dma_start3A_79] : memref<2560x128xi32, #tpu.memory_space<hbm>> -> memref<160x128xi32, #tpu.memory_space<hbm>>
        tpu.enqueue_dma source(%dma_start3A_80 : memref<160x128xi32, #tpu.memory_space<hbm>>) target(%arg6 : memref<160x128xi32, #tpu.memory_space<vmem>>) target_semaphore(%run_scoped3A : memref<!tpu.dma_semaphore, #tpu.memory_space<semaphore_mem>>)
        %dma_wait3A = arith.constant 0 : i32
        %dma_wait3A_81 = tpu.memref_slice %arg3[%mul3A_71, %dma_wait3A] : memref<2560x128xi32, #tpu.memory_space<hbm>> -> memref<160x128xi32, #tpu.memory_space<hbm>>
        %dma_wait3A_82 = arith.constant 0 : i32
        %dma_wait3A_83 = tpu.memref_slice %arg3[%mul3A_71, %dma_wait3A_82] : memref<2560x128xi32, #tpu.memory_space<hbm>> -> memref<160x128xi32, #tpu.memory_space<hbm>>
        tpu.wait_dma2 semaphore(%run_scoped3A : memref<!tpu.dma_semaphore, #tpu.memory_space<semaphore_mem>>) src(%dma_wait3A_83 : memref<160x128xi32, #tpu.memory_space<hbm>>) dst(%arg6 : memref<160x128xi32, #tpu.memory_space<vmem>>)
        tpu.yield
      }) : () -> ()
      %scan3A_72 = arith.constant 0 : i32
      %scan3A_73 = arith.constant 0 : i32
      %scan3A_74 = arith.constant 160 : i32
      %scan3A_75 = arith.addi %scan3A_73, %scan3A_74 : i32
      %scan3A_76 = arith.constant 1 : i32
      scf.for %scan3A_78 = %scan3A_73 to %scan3A_75 step %scan3A_76  : i32 {
        "tpu.region"() ({
          %run_scoped3A = tpu.sem_alloc : memref<!tpu.dma_semaphore, #tpu.memory_space<semaphore_mem>>
          %dma_start3A = arith.constant 0 : i32
          %dma_start3A_79 = tpu.memref_slice %arg6[%scan3A_78, %dma_start3A] : memref<160x128xi32, #tpu.memory_space<vmem>> -> memref<1x128xi32, #tpu.memory_space<vmem>>
          %dma_start3A_80 = tpu.memref_squeeze %dma_start3A_79 : memref<1x128xi32, #tpu.memory_space<vmem>> -> memref<128xi32, #tpu.memory_space<vmem>>
          %dma_start3A_81 = arith.constant 0 : i32
          %dma_start3A_82 = tpu.memref_slice %arg9[%dma_start3A_81] : memref<10240xf32, #tpu.memory_space<vmem_shared>> -> memref<10240xf32, #tpu.memory_space<vmem_shared>>
          tpu.enqueue_indirect_dma source(%arg7 : memref<128xf32, #tpu.memory_space<vmem>>) target(%dma_start3A_82 : memref<10240xf32, #tpu.memory_space<vmem_shared>>) offsets(%dma_start3A_80 : memref<128xi32, #tpu.memory_space<vmem>>) semaphore(%run_scoped3A : memref<!tpu.dma_semaphore, #tpu.memory_space<semaphore_mem>>) {add = true}
          %dma_wait3A = arith.constant 0 : i32
          %dma_wait3A_83 = tpu.memref_slice %arg6[%scan3A_78, %dma_wait3A] : memref<160x128xi32, #tpu.memory_space<vmem>> -> memref<1x128xi32, #tpu.memory_space<vmem>>
          %dma_wait3A_84 = tpu.memref_squeeze %dma_wait3A_83 : memref<1x128xi32, #tpu.memory_space<vmem>> -> memref<128xi32, #tpu.memory_space<vmem>>
          %dma_wait3A_85 = arith.constant 0 : i32
          %dma_wait3A_86 = tpu.memref_slice %arg9[%dma_wait3A_85] : memref<10240xf32, #tpu.memory_space<vmem_shared>> -> memref<10240xf32, #tpu.memory_space<vmem_shared>>
          tpu.wait_indirect_dma semaphore(%run_scoped3A : memref<!tpu.dma_semaphore, #tpu.memory_space<semaphore_mem>>) src(%arg7 : memref<128xf32, #tpu.memory_space<vmem>>) dst(%dma_wait3A_86 : memref<10240xf32, #tpu.memory_space<vmem_shared>>)
          tpu.yield
        }) : () -> ()
      }
      %scan3A_77 = arith.constant 160 : i32
    } else {
    }
    %barrier3A_59 = arith.constant 0 : index
    tpu.barrier barrier_id(%barrier3A_59)
    %eq3A_60 = arith.constant 0 : i32
    %eq3A_61 = arith.cmpi eq, %arg0, %eq3A_60 : i32
    %convert_element_type3A_62 = arith.extui %eq3A_61 : i1 to i32
    %cond3A_63 = arith.constant 0 : i32
    %cond3A_64 = arith.cmpi ne, %convert_element_type3A_62, %cond3A_63 : i32
    scf.if %cond3A_64 {
      %mul3A_70 = arith.constant 640 : i32
      %mul3A_71 = arith.muli %arg1, %mul3A_70 : i32
      %mul3A_72 = arith.constant 640 : i32
      %mul3A_73 = arith.muli %arg1, %mul3A_72 : i32
      "tpu.region"() ({
        %run_scoped3A = tpu.sem_alloc : memref<!tpu.dma_semaphore, #tpu.memory_space<semaphore_mem>>
        %dma_start3A = tpu.memref_slice %arg4[%mul3A_73] : memref<10240xf32, #tpu.memory_space<hbm>> -> memref<640xf32, #tpu.memory_space<hbm>>
        %dma_start3A_74 = tpu.memref_slice %arg9[%mul3A_71] : memref<10240xf32, #tpu.memory_space<vmem_shared>> -> memref<640xf32, #tpu.memory_space<vmem_shared>>
        tpu.enqueue_dma source(%dma_start3A_74 : memref<640xf32, #tpu.memory_space<vmem_shared>>) target(%dma_start3A : memref<640xf32, #tpu.memory_space<hbm>>) target_semaphore(%run_scoped3A : memref<!tpu.dma_semaphore, #tpu.memory_space<semaphore_mem>>)
        %dma_wait3A = tpu.memref_slice %arg4[%mul3A_73] : memref<10240xf32, #tpu.memory_space<hbm>> -> memref<640xf32, #tpu.memory_space<hbm>>
        %dma_wait3A_75 = tpu.memref_slice %arg9[%mul3A_71] : memref<10240xf32, #tpu.memory_space<vmem_shared>> -> memref<640xf32, #tpu.memory_space<vmem_shared>>
        tpu.wait_dma2 semaphore(%run_scoped3A : memref<!tpu.dma_semaphore, #tpu.memory_space<semaphore_mem>>) src(%dma_wait3A_75 : memref<640xf32, #tpu.memory_space<vmem_shared>>) dst(%dma_wait3A : memref<640xf32, #tpu.memory_space<hbm>>)
        tpu.yield
      }) : () -> ()
    } else {
    }
    %eq3A_65 = arith.constant 1 : i32
    %eq3A_66 = arith.cmpi eq, %arg0, %eq3A_65 : i32
    %convert_element_type3A_67 = arith.extui %eq3A_66 : i1 to i32
    %cond3A_68 = arith.constant 0 : i32
    %cond3A_69 = arith.cmpi ne, %convert_element_type3A_67, %cond3A_68 : i32
    scf.if %cond3A_69 {
      %mul3A_70 = arith.constant 640 : i32
      %mul3A_71 = arith.muli %arg1, %mul3A_70 : i32
      %mul3A_72 = arith.constant 640 : i32
      %mul3A_73 = arith.muli %arg1, %mul3A_72 : i32
      "tpu.region"() ({
        %run_scoped3A = tpu.sem_alloc : memref<!tpu.dma_semaphore, #tpu.memory_space<semaphore_mem>>
        %dma_start3A = tpu.memref_slice %arg5[%mul3A_73] : memref<10240xf32, #tpu.memory_space<hbm>> -> memref<640xf32, #tpu.memory_space<hbm>>
        %dma_start3A_74 = tpu.memref_slice %arg9[%mul3A_71] : memref<10240xf32, #tpu.memory_space<vmem_shared>> -> memref<640xf32, #tpu.memory_space<vmem_shared>>
        tpu.enqueue_dma source(%dma_start3A_74 : memref<640xf32, #tpu.memory_space<vmem_shared>>) target(%dma_start3A : memref<640xf32, #tpu.memory_space<hbm>>) target_semaphore(%run_scoped3A : memref<!tpu.dma_semaphore, #tpu.memory_space<semaphore_mem>>)
        %dma_wait3A = tpu.memref_slice %arg5[%mul3A_73] : memref<10240xf32, #tpu.memory_space<hbm>> -> memref<640xf32, #tpu.memory_space<hbm>>
        %dma_wait3A_75 = tpu.memref_slice %arg9[%mul3A_71] : memref<10240xf32, #tpu.memory_space<vmem_shared>> -> memref<640xf32, #tpu.memory_space<vmem_shared>>
        tpu.wait_dma2 semaphore(%run_scoped3A : memref<!tpu.dma_semaphore, #tpu.memory_space<semaphore_mem>>) src(%dma_wait3A_75 : memref<640xf32, #tpu.memory_space<vmem_shared>>) dst(%dma_wait3A : memref<640xf32, #tpu.memory_space<hbm>>)
        tpu.yield
      }) : () -> ()
    } else {
    }
    return
  }
}

#map = affine_map<(d0, d1) -> (0, 0)>
#map1 = affine_map<(d0, d1) -> (0)>
module attributes {stable_mosaic.version = 14 : i64} {
  func.func @k(%arg0: i32, %arg1: i32, %arg2: memref<10000x128xf32, #tpu.memory_space<hbm>>, %arg3: memref<10000x128xf32, #tpu.memory_space<hbm>>, %arg4: memref<327680xi32, #tpu.memory_space<hbm>>, %arg5: memref<327680xi32, #tpu.memory_space<hbm>>, %arg6: memref<327680xi32, #tpu.memory_space<hbm>>, %arg7: memref<327680xi32, #tpu.memory_space<hbm>>, %arg8: memref<640x128xf32, #tpu.memory_space<hbm>>, %arg9: memref<10240x128xf32, #tpu.memory_space<hbm>>, %arg10: memref<10240x128xf32, #tpu.memory_space<hbm>>, %arg11: memref<128xi32, #tpu.memory_space<vmem>>, %arg12: memref<128xi32, #tpu.memory_space<vmem>>, %arg13: memref<128x128xf32, #tpu.memory_space<vmem>>, %arg14: memref<10240x128xf32, #tpu.memory_space<vmem_shared>>, %arg15: memref<!tpu.dma_semaphore, #tpu.memory_space<semaphore_mem>>) attributes {dimension_semantics = [#tpu.dimension_semantics<core_parallel>, #tpu.dimension_semantics<subcore_parallel>], iteration_bounds = array<i64: 2, 16>, scalar_prefetch = 0 : i64, scratch_operands = 5 : i64, tpu.core_type = #tpu.core_type<sc_vector_subcore>, window_params = [{transform_indices = #map}, {transform_indices = #map}, {transform_indices = #map1}, {transform_indices = #map1}, {transform_indices = #map1}, {transform_indices = #map1}, {transform_indices = #map}, {transform_indices = #map}, {transform_indices = #map}]} {
    %mul3A = arith.constant 640 : i32
    %mul3A_0 = arith.muli %arg1, %mul3A : i32
    "tpu.region"() ({
      %run_scoped3A = tpu.sem_alloc : memref<!tpu.dma_semaphore, #tpu.memory_space<semaphore_mem>>
      %dma_start3A = arith.constant 0 : i32
      %dma_start3A_19 = tpu.memref_slice %arg14[%mul3A_0, %dma_start3A] : memref<10240x128xf32, #tpu.memory_space<vmem_shared>> -> memref<640x128xf32, #tpu.memory_space<vmem_shared>>
      tpu.enqueue_dma source(%arg8 : memref<640x128xf32, #tpu.memory_space<hbm>>) target(%dma_start3A_19 : memref<640x128xf32, #tpu.memory_space<vmem_shared>>) target_semaphore(%run_scoped3A : memref<!tpu.dma_semaphore, #tpu.memory_space<semaphore_mem>>)
      %dma_wait3A = arith.constant 0 : i32
      %dma_wait3A_20 = tpu.memref_slice %arg14[%mul3A_0, %dma_wait3A] : memref<10240x128xf32, #tpu.memory_space<vmem_shared>> -> memref<640x128xf32, #tpu.memory_space<vmem_shared>>
      tpu.wait_dma2 semaphore(%run_scoped3A : memref<!tpu.dma_semaphore, #tpu.memory_space<semaphore_mem>>) src(%arg8 : memref<640x128xf32, #tpu.memory_space<hbm>>) dst(%dma_wait3A_20 : memref<640x128xf32, #tpu.memory_space<vmem_shared>>)
      tpu.yield
    }) : () -> ()
    %barrier3A = arith.constant 0 : index
    tpu.barrier barrier_id(%barrier3A)
    %eq3A = arith.constant 0 : i32
    %eq3A_1 = arith.cmpi eq, %arg0, %eq3A : i32
    %convert_element_type3A = arith.extui %eq3A_1 : i1 to i32
    %cond3A = arith.constant 0 : i32
    %cond3A_2 = arith.cmpi ne, %convert_element_type3A, %cond3A : i32
    scf.if %cond3A_2 {
      %scan3A = arith.constant 0 : i32
      %scan3A_19 = arith.constant 0 : i32
      %scan3A_20 = arith.constant 160 : i32
      %scan3A_21 = arith.addi %scan3A_19, %scan3A_20 : i32
      %scan3A_22 = arith.constant 1 : i32
      scf.for %scan3A_24 = %scan3A_19 to %scan3A_21 step %scan3A_22  : i32 {
        %mul3A_25 = arith.constant 20480 : i32
        %mul3A_26 = arith.muli %arg1, %mul3A_25 : i32
        %mul3A_27 = arith.constant 128 : i32
        %mul3A_28 = arith.muli %scan3A_24, %mul3A_27 : i32
        %add3A = arith.addi %mul3A_26, %mul3A_28 : i32
        "tpu.region"() ({
          %run_scoped3A = tpu.sem_alloc : memref<!tpu.dma_semaphore, #tpu.memory_space<semaphore_mem>>
          %dma_start3A_33 = tpu.memref_slice %arg4[%add3A] : memref<327680xi32, #tpu.memory_space<hbm>> -> memref<128xi32, #tpu.memory_space<hbm>>
          %dma_start3A_34 = tpu.memref_slice %arg4[%add3A] : memref<327680xi32, #tpu.memory_space<hbm>> -> memref<128xi32, #tpu.memory_space<hbm>>
          tpu.enqueue_dma source(%dma_start3A_34 : memref<128xi32, #tpu.memory_space<hbm>>) target(%arg11 : memref<128xi32, #tpu.memory_space<vmem>>) target_semaphore(%run_scoped3A : memref<!tpu.dma_semaphore, #tpu.memory_space<semaphore_mem>>)
          %dma_wait3A_35 = tpu.memref_slice %arg4[%add3A] : memref<327680xi32, #tpu.memory_space<hbm>> -> memref<128xi32, #tpu.memory_space<hbm>>
          %dma_wait3A_36 = tpu.memref_slice %arg4[%add3A] : memref<327680xi32, #tpu.memory_space<hbm>> -> memref<128xi32, #tpu.memory_space<hbm>>
          tpu.wait_dma2 semaphore(%run_scoped3A : memref<!tpu.dma_semaphore, #tpu.memory_space<semaphore_mem>>) src(%dma_wait3A_36 : memref<128xi32, #tpu.memory_space<hbm>>) dst(%arg11 : memref<128xi32, #tpu.memory_space<vmem>>)
          tpu.yield
        }) : () -> ()
        "tpu.region"() ({
          %run_scoped3A = tpu.sem_alloc : memref<!tpu.dma_semaphore, #tpu.memory_space<semaphore_mem>>
          %dma_start3A_33 = tpu.memref_slice %arg5[%add3A] : memref<327680xi32, #tpu.memory_space<hbm>> -> memref<128xi32, #tpu.memory_space<hbm>>
          %dma_start3A_34 = tpu.memref_slice %arg5[%add3A] : memref<327680xi32, #tpu.memory_space<hbm>> -> memref<128xi32, #tpu.memory_space<hbm>>
          tpu.enqueue_dma source(%dma_start3A_34 : memref<128xi32, #tpu.memory_space<hbm>>) target(%arg12 : memref<128xi32, #tpu.memory_space<vmem>>) target_semaphore(%run_scoped3A : memref<!tpu.dma_semaphore, #tpu.memory_space<semaphore_mem>>)
          %dma_wait3A_35 = tpu.memref_slice %arg5[%add3A] : memref<327680xi32, #tpu.memory_space<hbm>> -> memref<128xi32, #tpu.memory_space<hbm>>
          %dma_wait3A_36 = tpu.memref_slice %arg5[%add3A] : memref<327680xi32, #tpu.memory_space<hbm>> -> memref<128xi32, #tpu.memory_space<hbm>>
          tpu.wait_dma2 semaphore(%run_scoped3A : memref<!tpu.dma_semaphore, #tpu.memory_space<semaphore_mem>>) src(%dma_wait3A_36 : memref<128xi32, #tpu.memory_space<hbm>>) dst(%arg12 : memref<128xi32, #tpu.memory_space<vmem>>)
          tpu.yield
        }) : () -> ()
        %dma_start3A = arith.constant 0 : i32
        %dma_start3A_29 = arith.constant 0 : i32
        %dma_start3A_30 = tpu.memref_slice %arg2[%dma_start3A, %dma_start3A_29] : memref<10000x128xf32, #tpu.memory_space<hbm>> -> memref<10000x128xf32, #tpu.memory_space<hbm>>
        tpu.enqueue_indirect_dma source(%dma_start3A_30 : memref<10000x128xf32, #tpu.memory_space<hbm>>) target(%arg13 : memref<128x128xf32, #tpu.memory_space<vmem>>) offsets(%arg11 : memref<128xi32, #tpu.memory_space<vmem>>) semaphore(%arg15 : memref<!tpu.dma_semaphore, #tpu.memory_space<semaphore_mem>>)
        %dma_wait3A = arith.constant 0 : i32
        %dma_wait3A_31 = arith.constant 0 : i32
        %dma_wait3A_32 = tpu.memref_slice %arg2[%dma_wait3A, %dma_wait3A_31] : memref<10000x128xf32, #tpu.memory_space<hbm>> -> memref<10000x128xf32, #tpu.memory_space<hbm>>
        tpu.wait_indirect_dma semaphore(%arg15 : memref<!tpu.dma_semaphore, #tpu.memory_space<semaphore_mem>>) src(%dma_wait3A_32 : memref<10000x128xf32, #tpu.memory_space<hbm>>) dst(%arg13 : memref<128x128xf32, #tpu.memory_space<vmem>>)
        "tpu.region"() ({
          %run_scoped3A = tpu.sem_alloc : memref<!tpu.dma_semaphore, #tpu.memory_space<semaphore_mem>>
          %dma_start3A_33 = arith.constant 0 : i32
          %dma_start3A_34 = arith.constant 0 : i32
          %dma_start3A_35 = tpu.memref_slice %arg14[%dma_start3A_33, %dma_start3A_34] : memref<10240x128xf32, #tpu.memory_space<vmem_shared>> -> memref<10240x128xf32, #tpu.memory_space<vmem_shared>>
          tpu.enqueue_indirect_dma source(%arg13 : memref<128x128xf32, #tpu.memory_space<vmem>>) target(%dma_start3A_35 : memref<10240x128xf32, #tpu.memory_space<vmem_shared>>) offsets(%arg12 : memref<128xi32, #tpu.memory_space<vmem>>) semaphore(%run_scoped3A : memref<!tpu.dma_semaphore, #tpu.memory_space<semaphore_mem>>) {add = true}
          %dma_wait3A_36 = arith.constant 0 : i32
          %dma_wait3A_37 = arith.constant 0 : i32
          %dma_wait3A_38 = tpu.memref_slice %arg14[%dma_wait3A_36, %dma_wait3A_37] : memref<10240x128xf32, #tpu.memory_space<vmem_shared>> -> memref<10240x128xf32, #tpu.memory_space<vmem_shared>>
          tpu.wait_indirect_dma semaphore(%run_scoped3A : memref<!tpu.dma_semaphore, #tpu.memory_space<semaphore_mem>>) src(%arg13 : memref<128x128xf32, #tpu.memory_space<vmem>>) dst(%dma_wait3A_38 : memref<10240x128xf32, #tpu.memory_space<vmem_shared>>)
          tpu.yield
        }) : () -> ()
      }
      %scan3A_23 = arith.constant 160 : i32
    } else {
    }
    %eq3A_3 = arith.constant 1 : i32
    %eq3A_4 = arith.cmpi eq, %arg0, %eq3A_3 : i32
    %convert_element_type3A_5 = arith.extui %eq3A_4 : i1 to i32
    %cond3A_6 = arith.constant 0 : i32
    %cond3A_7 = arith.cmpi ne, %convert_element_type3A_5, %cond3A_6 : i32
    scf.if %cond3A_7 {
      %scan3A = arith.constant 0 : i32
      %scan3A_19 = arith.constant 0 : i32
      %scan3A_20 = arith.constant 160 : i32
      %scan3A_21 = arith.addi %scan3A_19, %scan3A_20 : i32
      %scan3A_22 = arith.constant 1 : i32
      scf.for %scan3A_24 = %scan3A_19 to %scan3A_21 step %scan3A_22  : i32 {
        %mul3A_25 = arith.constant 20480 : i32
        %mul3A_26 = arith.muli %arg1, %mul3A_25 : i32
        %mul3A_27 = arith.constant 128 : i32
        %mul3A_28 = arith.muli %scan3A_24, %mul3A_27 : i32
        %add3A = arith.addi %mul3A_26, %mul3A_28 : i32
        "tpu.region"() ({
          %run_scoped3A = tpu.sem_alloc : memref<!tpu.dma_semaphore, #tpu.memory_space<semaphore_mem>>
          %dma_start3A_33 = tpu.memref_slice %arg6[%add3A] : memref<327680xi32, #tpu.memory_space<hbm>> -> memref<128xi32, #tpu.memory_space<hbm>>
          %dma_start3A_34 = tpu.memref_slice %arg6[%add3A] : memref<327680xi32, #tpu.memory_space<hbm>> -> memref<128xi32, #tpu.memory_space<hbm>>
          tpu.enqueue_dma source(%dma_start3A_34 : memref<128xi32, #tpu.memory_space<hbm>>) target(%arg11 : memref<128xi32, #tpu.memory_space<vmem>>) target_semaphore(%run_scoped3A : memref<!tpu.dma_semaphore, #tpu.memory_space<semaphore_mem>>)
          %dma_wait3A_35 = tpu.memref_slice %arg6[%add3A] : memref<327680xi32, #tpu.memory_space<hbm>> -> memref<128xi32, #tpu.memory_space<hbm>>
          %dma_wait3A_36 = tpu.memref_slice %arg6[%add3A] : memref<327680xi32, #tpu.memory_space<hbm>> -> memref<128xi32, #tpu.memory_space<hbm>>
          tpu.wait_dma2 semaphore(%run_scoped3A : memref<!tpu.dma_semaphore, #tpu.memory_space<semaphore_mem>>) src(%dma_wait3A_36 : memref<128xi32, #tpu.memory_space<hbm>>) dst(%arg11 : memref<128xi32, #tpu.memory_space<vmem>>)
          tpu.yield
        }) : () -> ()
        "tpu.region"() ({
          %run_scoped3A = tpu.sem_alloc : memref<!tpu.dma_semaphore, #tpu.memory_space<semaphore_mem>>
          %dma_start3A_33 = tpu.memref_slice %arg7[%add3A] : memref<327680xi32, #tpu.memory_space<hbm>> -> memref<128xi32, #tpu.memory_space<hbm>>
          %dma_start3A_34 = tpu.memref_slice %arg7[%add3A] : memref<327680xi32, #tpu.memory_space<hbm>> -> memref<128xi32, #tpu.memory_space<hbm>>
          tpu.enqueue_dma source(%dma_start3A_34 : memref<128xi32, #tpu.memory_space<hbm>>) target(%arg12 : memref<128xi32, #tpu.memory_space<vmem>>) target_semaphore(%run_scoped3A : memref<!tpu.dma_semaphore, #tpu.memory_space<semaphore_mem>>)
          %dma_wait3A_35 = tpu.memref_slice %arg7[%add3A] : memref<327680xi32, #tpu.memory_space<hbm>> -> memref<128xi32, #tpu.memory_space<hbm>>
          %dma_wait3A_36 = tpu.memref_slice %arg7[%add3A] : memref<327680xi32, #tpu.memory_space<hbm>> -> memref<128xi32, #tpu.memory_space<hbm>>
          tpu.wait_dma2 semaphore(%run_scoped3A : memref<!tpu.dma_semaphore, #tpu.memory_space<semaphore_mem>>) src(%dma_wait3A_36 : memref<128xi32, #tpu.memory_space<hbm>>) dst(%arg12 : memref<128xi32, #tpu.memory_space<vmem>>)
          tpu.yield
        }) : () -> ()
        %dma_start3A = arith.constant 0 : i32
        %dma_start3A_29 = arith.constant 0 : i32
        %dma_start3A_30 = tpu.memref_slice %arg3[%dma_start3A, %dma_start3A_29] : memref<10000x128xf32, #tpu.memory_space<hbm>> -> memref<10000x128xf32, #tpu.memory_space<hbm>>
        tpu.enqueue_indirect_dma source(%dma_start3A_30 : memref<10000x128xf32, #tpu.memory_space<hbm>>) target(%arg13 : memref<128x128xf32, #tpu.memory_space<vmem>>) offsets(%arg11 : memref<128xi32, #tpu.memory_space<vmem>>) semaphore(%arg15 : memref<!tpu.dma_semaphore, #tpu.memory_space<semaphore_mem>>)
        %dma_wait3A = arith.constant 0 : i32
        %dma_wait3A_31 = arith.constant 0 : i32
        %dma_wait3A_32 = tpu.memref_slice %arg3[%dma_wait3A, %dma_wait3A_31] : memref<10000x128xf32, #tpu.memory_space<hbm>> -> memref<10000x128xf32, #tpu.memory_space<hbm>>
        tpu.wait_indirect_dma semaphore(%arg15 : memref<!tpu.dma_semaphore, #tpu.memory_space<semaphore_mem>>) src(%dma_wait3A_32 : memref<10000x128xf32, #tpu.memory_space<hbm>>) dst(%arg13 : memref<128x128xf32, #tpu.memory_space<vmem>>)
        "tpu.region"() ({
          %run_scoped3A = tpu.sem_alloc : memref<!tpu.dma_semaphore, #tpu.memory_space<semaphore_mem>>
          %dma_start3A_33 = arith.constant 0 : i32
          %dma_start3A_34 = arith.constant 0 : i32
          %dma_start3A_35 = tpu.memref_slice %arg14[%dma_start3A_33, %dma_start3A_34] : memref<10240x128xf32, #tpu.memory_space<vmem_shared>> -> memref<10240x128xf32, #tpu.memory_space<vmem_shared>>
          tpu.enqueue_indirect_dma source(%arg13 : memref<128x128xf32, #tpu.memory_space<vmem>>) target(%dma_start3A_35 : memref<10240x128xf32, #tpu.memory_space<vmem_shared>>) offsets(%arg12 : memref<128xi32, #tpu.memory_space<vmem>>) semaphore(%run_scoped3A : memref<!tpu.dma_semaphore, #tpu.memory_space<semaphore_mem>>) {add = true}
          %dma_wait3A_36 = arith.constant 0 : i32
          %dma_wait3A_37 = arith.constant 0 : i32
          %dma_wait3A_38 = tpu.memref_slice %arg14[%dma_wait3A_36, %dma_wait3A_37] : memref<10240x128xf32, #tpu.memory_space<vmem_shared>> -> memref<10240x128xf32, #tpu.memory_space<vmem_shared>>
          tpu.wait_indirect_dma semaphore(%run_scoped3A : memref<!tpu.dma_semaphore, #tpu.memory_space<semaphore_mem>>) src(%arg13 : memref<128x128xf32, #tpu.memory_space<vmem>>) dst(%dma_wait3A_38 : memref<10240x128xf32, #tpu.memory_space<vmem_shared>>)
          tpu.yield
        }) : () -> ()
      }
      %scan3A_23 = arith.constant 160 : i32
    } else {
    }
    %barrier3A_8 = arith.constant 0 : index
    tpu.barrier barrier_id(%barrier3A_8)
    %eq3A_9 = arith.constant 0 : i32
    %eq3A_10 = arith.cmpi eq, %arg0, %eq3A_9 : i32
    %convert_element_type3A_11 = arith.extui %eq3A_10 : i1 to i32
    %cond3A_12 = arith.constant 0 : i32
    %cond3A_13 = arith.cmpi ne, %convert_element_type3A_11, %cond3A_12 : i32
    scf.if %cond3A_13 {
      %mul3A_19 = arith.constant 640 : i32
      %mul3A_20 = arith.muli %arg1, %mul3A_19 : i32
      %mul3A_21 = arith.constant 640 : i32
      %mul3A_22 = arith.muli %arg1, %mul3A_21 : i32
      "tpu.region"() ({
        %run_scoped3A = tpu.sem_alloc : memref<!tpu.dma_semaphore, #tpu.memory_space<semaphore_mem>>
        %dma_start3A = arith.constant 0 : i32
        %dma_start3A_23 = tpu.memref_slice %arg9[%mul3A_22, %dma_start3A] : memref<10240x128xf32, #tpu.memory_space<hbm>> -> memref<640x128xf32, #tpu.memory_space<hbm>>
        %dma_start3A_24 = arith.constant 0 : i32
        %dma_start3A_25 = tpu.memref_slice %arg14[%mul3A_20, %dma_start3A_24] : memref<10240x128xf32, #tpu.memory_space<vmem_shared>> -> memref<640x128xf32, #tpu.memory_space<vmem_shared>>
        tpu.enqueue_dma source(%dma_start3A_25 : memref<640x128xf32, #tpu.memory_space<vmem_shared>>) target(%dma_start3A_23 : memref<640x128xf32, #tpu.memory_space<hbm>>) target_semaphore(%run_scoped3A : memref<!tpu.dma_semaphore, #tpu.memory_space<semaphore_mem>>)
        %dma_wait3A = arith.constant 0 : i32
        %dma_wait3A_26 = tpu.memref_slice %arg9[%mul3A_22, %dma_wait3A] : memref<10240x128xf32, #tpu.memory_space<hbm>> -> memref<640x128xf32, #tpu.memory_space<hbm>>
        %dma_wait3A_27 = arith.constant 0 : i32
        %dma_wait3A_28 = tpu.memref_slice %arg14[%mul3A_20, %dma_wait3A_27] : memref<10240x128xf32, #tpu.memory_space<vmem_shared>> -> memref<640x128xf32, #tpu.memory_space<vmem_shared>>
        tpu.wait_dma2 semaphore(%run_scoped3A : memref<!tpu.dma_semaphore, #tpu.memory_space<semaphore_mem>>) src(%dma_wait3A_28 : memref<640x128xf32, #tpu.memory_space<vmem_shared>>) dst(%dma_wait3A_26 : memref<640x128xf32, #tpu.memory_space<hbm>>)
        tpu.yield
      }) : () -> ()
    } else {
    }
    %eq3A_14 = arith.constant 1 : i32
    %eq3A_15 = arith.cmpi eq, %arg0, %eq3A_14 : i32
    %convert_element_type3A_16 = arith.extui %eq3A_15 : i1 to i32
    %cond3A_17 = arith.constant 0 : i32
    %cond3A_18 = arith.cmpi ne, %convert_element_type3A_16, %cond3A_17 : i32
    scf.if %cond3A_18 {
      %mul3A_19 = arith.constant 640 : i32
      %mul3A_20 = arith.muli %arg1, %mul3A_19 : i32
      %mul3A_21 = arith.constant 640 : i32
      %mul3A_22 = arith.muli %arg1, %mul3A_21 : i32
      "tpu.region"() ({
        %run_scoped3A = tpu.sem_alloc : memref<!tpu.dma_semaphore, #tpu.memory_space<semaphore_mem>>
        %dma_start3A = arith.constant 0 : i32
        %dma_start3A_23 = tpu.memref_slice %arg10[%mul3A_22, %dma_start3A] : memref<10240x128xf32, #tpu.memory_space<hbm>> -> memref<640x128xf32, #tpu.memory_space<hbm>>
        %dma_start3A_24 = arith.constant 0 : i32
        %dma_start3A_25 = tpu.memref_slice %arg14[%mul3A_20, %dma_start3A_24] : memref<10240x128xf32, #tpu.memory_space<vmem_shared>> -> memref<640x128xf32, #tpu.memory_space<vmem_shared>>
        tpu.enqueue_dma source(%dma_start3A_25 : memref<640x128xf32, #tpu.memory_space<vmem_shared>>) target(%dma_start3A_23 : memref<640x128xf32, #tpu.memory_space<hbm>>) target_semaphore(%run_scoped3A : memref<!tpu.dma_semaphore, #tpu.memory_space<semaphore_mem>>)
        %dma_wait3A = arith.constant 0 : i32
        %dma_wait3A_26 = tpu.memref_slice %arg10[%mul3A_22, %dma_wait3A] : memref<10240x128xf32, #tpu.memory_space<hbm>> -> memref<640x128xf32, #tpu.memory_space<hbm>>
        %dma_wait3A_27 = arith.constant 0 : i32
        %dma_wait3A_28 = tpu.memref_slice %arg14[%mul3A_20, %dma_wait3A_27] : memref<10240x128xf32, #tpu.memory_space<vmem_shared>> -> memref<640x128xf32, #tpu.memory_space<vmem_shared>>
        tpu.wait_dma2 semaphore(%run_scoped3A : memref<!tpu.dma_semaphore, #tpu.memory_space<semaphore_mem>>) src(%dma_wait3A_28 : memref<640x128xf32, #tpu.memory_space<vmem_shared>>) dst(%dma_wait3A_26 : memref<640x128xf32, #tpu.memory_space<hbm>>)
        tpu.yield
      }) : () -> ()
    } else {
    }
    return
  }
}

module attributes {stable_mosaic.version = 14 : i64} {
  func.func @_y_body(%arg0: i32, %arg1: memref<1000x128xf32, #tpu.memory_space<vmem>>, %arg2: memref<128x128xf32, #tpu.memory_space<vmem>>, %arg3: memref<1000x1xf32, #tpu.memory_space<vmem>>, %arg4: memref<1000x128xf32, #tpu.memory_space<vmem>>, %arg5: memref<128x128xf32, #tpu.memory_space<vmem>>, %arg6: memref<1000x1xf32, #tpu.memory_space<vmem>>, %arg7: memref<1000x128xf32, #tpu.memory_space<vmem>>, %arg8: memref<1000x128xf32, #tpu.memory_space<vmem>>) attributes {dimension_semantics = [#tpu.dimension_semantics<arbitrary>], iteration_bounds = array<i64: 10>, scalar_prefetch = 0 : i64, scratch_operands = 0 : i64, tpu.core_type = #tpu.core_type<tc>, window_params = [{transform_indices = @transform_0, window_bounds = array<i64: 1000, 128>}, {pipeline_mode = #tpu.pipeline_mode<synchronous>, transform_indices = @transform_1, window_bounds = array<i64: 128, 128>}, {transform_indices = @transform_2, window_bounds = array<i64: 1000, 1>}, {transform_indices = @transform_3, window_bounds = array<i64: 1000, 128>}, {pipeline_mode = #tpu.pipeline_mode<synchronous>, transform_indices = @transform_4, window_bounds = array<i64: 128, 128>}, {transform_indices = @transform_5, window_bounds = array<i64: 1000, 1>}, {transform_indices = @transform_6, window_bounds = array<i64: 1000, 128>}, {transform_indices = @transform_7, window_bounds = array<i64: 1000, 128>}]} {
    %get3A = arith.constant 0 : index
    %get3A_0 = arith.constant 0 : index
    %get3A_1 = vector.load %arg3[%get3A, %get3A_0] : memref<1000x1xf32, #tpu.memory_space<vmem>>, vector<1000x1xf32>
    %add3A = arith.constant 1.000000e+00 : f32
    %add3A_2 = vector.broadcast %add3A : f32 to vector<1000x1xf32>
    %add3A_3 = arith.addf %get3A_1, %add3A_2 : vector<1000x1xf32>
    %rsqrt3A = math.rsqrt %add3A_3 : vector<1000x1xf32>
    %get3A_4 = arith.constant 0 : index
    %get3A_5 = arith.constant 0 : index
    %get3A_6 = vector.load %arg1[%get3A_4, %get3A_5] : memref<1000x128xf32, #tpu.memory_space<vmem>>, vector<1000x128xf32>
    %get3A_7 = arith.constant 0 : index
    %get3A_8 = arith.constant 0 : index
    %get3A_9 = vector.load %arg2[%get3A_7, %get3A_8] : memref<128x128xf32, #tpu.memory_space<vmem>>, vector<128x128xf32>
    %dot_general3A = arith.constant dense<0.000000e+00> : vector<1000x128xf32>
    %dot_general3A_10 = tpu.matmul %get3A_6, %get3A_9, %dot_general3A {dimension_numbers = #tpu.dot_dimension_numbers<[1], [0], [0], [1], [0, 0, 1, 1], [], []>, transpose_lhs_hint = false} : vector<1000x128xf32>, vector<128x128xf32>, vector<1000x128xf32> -> vector<1000x128xf32>
    %mul3A = vector.broadcast %rsqrt3A : vector<1000x1xf32> to vector<1000x128xf32>
    %mul3A_11 = arith.mulf %mul3A, %dot_general3A_10 : vector<1000x128xf32>
    %swap3A = arith.constant 0 : index
    %swap3A_12 = arith.constant 0 : index
    %swap3A_13 = vector.load %arg7[%swap3A, %swap3A_12] : memref<1000x128xf32, #tpu.memory_space<vmem>>, vector<1000x128xf32>
    tpu.vector_store %arg7[%swap3A, %swap3A_12], %mul3A_11 {strides = array<i32>} : memref<1000x128xf32, #tpu.memory_space<vmem>>, vector<1000x128xf32>,
    %get3A_14 = arith.constant 0 : index
    %get3A_15 = arith.constant 0 : index
    %get3A_16 = vector.load %arg6[%get3A_14, %get3A_15] : memref<1000x1xf32, #tpu.memory_space<vmem>>, vector<1000x1xf32>
    %add3A_17 = arith.constant 1.000000e+00 : f32
    %add3A_18 = vector.broadcast %add3A_17 : f32 to vector<1000x1xf32>
    %add3A_19 = arith.addf %get3A_16, %add3A_18 : vector<1000x1xf32>
    %rsqrt3A_20 = math.rsqrt %add3A_19 : vector<1000x1xf32>
    %get3A_21 = arith.constant 0 : index
    %get3A_22 = arith.constant 0 : index
    %get3A_23 = vector.load %arg4[%get3A_21, %get3A_22] : memref<1000x128xf32, #tpu.memory_space<vmem>>, vector<1000x128xf32>
    %get3A_24 = arith.constant 0 : index
    %get3A_25 = arith.constant 0 : index
    %get3A_26 = vector.load %arg5[%get3A_24, %get3A_25] : memref<128x128xf32, #tpu.memory_space<vmem>>, vector<128x128xf32>
    %dot_general3A_27 = arith.constant dense<0.000000e+00> : vector<1000x128xf32>
    %dot_general3A_28 = tpu.matmul %get3A_23, %get3A_26, %dot_general3A_27 {dimension_numbers = #tpu.dot_dimension_numbers<[1], [0], [0], [1], [0, 0, 1, 1], [], []>, transpose_lhs_hint = false} : vector<1000x128xf32>, vector<128x128xf32>, vector<1000x128xf32> -> vector<1000x128xf32>
    %mul3A_29 = vector.broadcast %rsqrt3A_20 : vector<1000x1xf32> to vector<1000x128xf32>
    %mul3A_30 = arith.mulf %mul3A_29, %dot_general3A_28 : vector<1000x128xf32>
    %swap3A_31 = arith.constant 0 : index
    %swap3A_32 = arith.constant 0 : index
    %swap3A_33 = vector.load %arg8[%swap3A_31, %swap3A_32] : memref<1000x128xf32, #tpu.memory_space<vmem>>, vector<1000x128xf32>
    tpu.vector_store %arg8[%swap3A_31, %swap3A_32], %mul3A_30 {strides = array<i32>} : memref<1000x128xf32, #tpu.memory_space<vmem>>, vector<1000x128xf32>,
    return
  }
  func.func @transform_0(%arg0: i32) -> (i32, i32) {
    %c0_i32 = arith.constant 0 : i32
    %c0_i32_0 = arith.constant 0 : i32
    return %arg0, %c0_i32 : i32, i32
  }
  func.func @transform_1(%arg0: i32) -> (i32, i32) {
    %c0_i32 = arith.constant 0 : i32
    %c0_i32_0 = arith.constant 0 : i32
    %c0_i32_1 = arith.constant 0 : i32
    return %c0_i32, %c0_i32_0 : i32, i32
  }
  func.func @transform_2(%arg0: i32) -> (i32, i32) {
    %c0_i32 = arith.constant 0 : i32
    %c0_i32_0 = arith.constant 0 : i32
    return %arg0, %c0_i32 : i32, i32
  }
  func.func @transform_3(%arg0: i32) -> (i32, i32) {
    %c0_i32 = arith.constant 0 : i32
    %c0_i32_0 = arith.constant 0 : i32
    return %arg0, %c0_i32 : i32, i32
  }
  func.func @transform_4(%arg0: i32) -> (i32, i32) {
    %c0_i32 = arith.constant 0 : i32
    %c0_i32_0 = arith.constant 0 : i32
    %c0_i32_1 = arith.constant 0 : i32
    return %c0_i32, %c0_i32_0 : i32, i32
  }
  func.func @transform_5(%arg0: i32) -> (i32, i32) {
    %c0_i32 = arith.constant 0 : i32
    %c0_i32_0 = arith.constant 0 : i32
    return %arg0, %c0_i32 : i32, i32
  }
  func.func @transform_6(%arg0: i32) -> (i32, i32) {
    %c0_i32 = arith.constant 0 : i32
    %c0_i32_0 = arith.constant 0 : i32
    return %arg0, %c0_i32 : i32, i32
  }
  func.func @transform_7(%arg0: i32) -> (i32, i32) {
    %c0_i32 = arith.constant 0 : i32
    %c0_i32_0 = arith.constant 0 : i32
    return %arg0, %c0_i32 : i32, i32
  }
}

module attributes {stable_mosaic.version = 14 : i64} {
  func.func @_final_body(%arg0: i32, %arg1: memref<1x1x1000xi32, #tpu.memory_space<vmem>>, %arg2: memref<1000x128xf32, #tpu.memory_space<vmem>>, %arg3: memref<1000x128xf32, #tpu.memory_space<vmem>>, %arg4: memref<1000x1xf32, #tpu.memory_space<vmem>>, %arg5: memref<1x128xf32, #tpu.memory_space<vmem>>, %arg6: memref<128x128xf32, #tpu.memory_space<vmem>>, %arg7: memref<1x128xf32, #tpu.memory_space<vmem>>, %arg8: memref<1x1x1000xi32, #tpu.memory_space<vmem>>, %arg9: memref<1000x128xf32, #tpu.memory_space<vmem>>, %arg10: memref<1000x128xf32, #tpu.memory_space<vmem>>, %arg11: memref<1000x1xf32, #tpu.memory_space<vmem>>, %arg12: memref<1x128xf32, #tpu.memory_space<vmem>>, %arg13: memref<128x128xf32, #tpu.memory_space<vmem>>, %arg14: memref<1x128xf32, #tpu.memory_space<vmem>>, %arg15: memref<256x1xf32, #tpu.memory_space<vmem>>, %arg16: memref<1x1xf32, #tpu.memory_space<vmem>>, %arg17: memref<64x1xf32, #tpu.memory_space<vmem>>, %arg18: memref<64x128xf32, #tpu.memory_space<vmem>>, %arg19: memref<64x1xf32, #tpu.memory_space<vmem>>, %arg20: memref<64x128xf32, #tpu.memory_space<vmem>>, %arg21: memref<64x1xf32, #tpu.memory_space<vmem>>) attributes {dimension_semantics = [#tpu.dimension_semantics<arbitrary>], iteration_bounds = array<i64: 10>, scalar_prefetch = 0 : i64, scratch_operands = 4 : i64, tpu.core_type = #tpu.core_type<tc>, window_params = [{transform_indices = @transform_0, window_bounds = array<i64: 1, 1, 1000>}, {transform_indices = @transform_1, window_bounds = array<i64: 1000, 128>}, {transform_indices = @transform_2, window_bounds = array<i64: 1000, 128>}, {transform_indices = @transform_3, window_bounds = array<i64: 1000, 1>}, {pipeline_mode = #tpu.pipeline_mode<synchronous>, transform_indices = @transform_4, window_bounds = array<i64: 1, 128>}, {pipeline_mode = #tpu.pipeline_mode<synchronous>, transform_indices = @transform_5, window_bounds = array<i64: 128, 128>}, {pipeline_mode = #tpu.pipeline_mode<synchronous>, transform_indices = @transform_6, window_bounds = array<i64: 1, 128>}, {transform_indices = @transform_7, window_bounds = array<i64: 1, 1, 1000>}, {transform_indices = @transform_8, window_bounds = array<i64: 1000, 128>}, {transform_indices = @transform_9, window_bounds = array<i64: 1000, 128>}, {transform_indices = @transform_10, window_bounds = array<i64: 1000, 1>}, {pipeline_mode = #tpu.pipeline_mode<synchronous>, transform_indices = @transform_11, window_bounds = array<i64: 1, 128>}, {pipeline_mode = #tpu.pipeline_mode<synchronous>, transform_indices = @transform_12, window_bounds = array<i64: 128, 128>}, {pipeline_mode = #tpu.pipeline_mode<synchronous>, transform_indices = @transform_13, window_bounds = array<i64: 1, 128>}, {pipeline_mode = #tpu.pipeline_mode<synchronous>, transform_indices = @transform_14, window_bounds = array<i64: 256, 1>}, {pipeline_mode = #tpu.pipeline_mode<synchronous>, transform_indices = @transform_15, window_bounds = array<i64: 1, 1>}, {pipeline_mode = #tpu.pipeline_mode<synchronous>, transform_indices = @transform_16, window_bounds = array<i64: 64, 1>}]} {
    %eq3A = arith.constant 0 : i32
    %eq3A_0 = arith.cmpi eq, %arg0, %eq3A : i32
    %convert_element_type3A = arith.extui %eq3A_0 : i1 to i32
    %cond3A = arith.constant 0 : i32
    %cond3A_1 = arith.cmpi ne, %convert_element_type3A, %cond3A : i32
    scf.if %cond3A_1 {
      %broadcast_in_dim3A_110 = arith.constant 0.000000e+00 : f32
      %broadcast_in_dim3A_111 = vector.broadcast %broadcast_in_dim3A_110 : f32 to vector<64x128xf32>
      %swap3A_112 = arith.constant 0 : index
      %swap3A_113 = arith.constant 0 : index
      %swap3A_114 = vector.load %arg18[%swap3A_112, %swap3A_113] : memref<64x128xf32, #tpu.memory_space<vmem>>, vector<64x128xf32>
      tpu.vector_store %arg18[%swap3A_112, %swap3A_113], %broadcast_in_dim3A_111 {strides = array<i32>} : memref<64x128xf32, #tpu.memory_space<vmem>>, vector<64x128xf32>,
      %broadcast_in_dim3A_115 = arith.constant 0.000000e+00 : f32
      %broadcast_in_dim3A_116 = vector.broadcast %broadcast_in_dim3A_115 : f32 to vector<64x1xf32>
      %swap3A_117 = arith.constant 0 : index
      %swap3A_118 = arith.constant 0 : index
      %swap3A_119 = vector.load %arg19[%swap3A_117, %swap3A_118] : memref<64x1xf32, #tpu.memory_space<vmem>>, vector<64x1xf32>
      tpu.vector_store %arg19[%swap3A_117, %swap3A_118], %broadcast_in_dim3A_116 {strides = array<i32>} : memref<64x1xf32, #tpu.memory_space<vmem>>, vector<64x1xf32>,
      %broadcast_in_dim3A_120 = arith.constant 0.000000e+00 : f32
      %broadcast_in_dim3A_121 = vector.broadcast %broadcast_in_dim3A_120 : f32 to vector<64x128xf32>
      %swap3A_122 = arith.constant 0 : index
      %swap3A_123 = arith.constant 0 : index
      %swap3A_124 = vector.load %arg20[%swap3A_122, %swap3A_123] : memref<64x128xf32, #tpu.memory_space<vmem>>, vector<64x128xf32>
      tpu.vector_store %arg20[%swap3A_122, %swap3A_123], %broadcast_in_dim3A_121 {strides = array<i32>} : memref<64x128xf32, #tpu.memory_space<vmem>>, vector<64x128xf32>,
      %broadcast_in_dim3A_125 = arith.constant 0.000000e+00 : f32
      %broadcast_in_dim3A_126 = vector.broadcast %broadcast_in_dim3A_125 : f32 to vector<64x1xf32>
      %swap3A_127 = arith.constant 0 : index
      %swap3A_128 = arith.constant 0 : index
      %swap3A_129 = vector.load %arg21[%swap3A_127, %swap3A_128] : memref<64x1xf32, #tpu.memory_space<vmem>>, vector<64x1xf32>
      tpu.vector_store %arg21[%swap3A_127, %swap3A_128], %broadcast_in_dim3A_126 {strides = array<i32>} : memref<64x1xf32, #tpu.memory_space<vmem>>, vector<64x1xf32>,
    } else {
    }
    %get3A = arith.constant 0 : index
    %get3A_2 = arith.constant 0 : index
    %get3A_3 = vector.load %arg4[%get3A, %get3A_2] : memref<1000x1xf32, #tpu.memory_space<vmem>>, vector<1000x1xf32>
    %add3A = arith.constant 1.000000e+00 : f32
    %add3A_4 = vector.broadcast %add3A : f32 to vector<1000x1xf32>
    %add3A_5 = arith.addf %get3A_3, %add3A_4 : vector<1000x1xf32>
    %rsqrt3A = math.rsqrt %add3A_5 : vector<1000x1xf32>
    %get3A_6 = arith.constant 0 : index
    %get3A_7 = arith.constant 0 : index
    %get3A_8 = vector.load %arg2[%get3A_6, %get3A_7] : memref<1000x128xf32, #tpu.memory_space<vmem>>, vector<1000x128xf32>
    %get3A_9 = arith.constant 0 : index
    %get3A_10 = arith.constant 0 : index
    %get3A_11 = vector.load %arg3[%get3A_9, %get3A_10] : memref<1000x128xf32, #tpu.memory_space<vmem>>, vector<1000x128xf32>
    %add3A_12 = arith.addf %get3A_8, %get3A_11 : vector<1000x128xf32>
    %mul3A = vector.broadcast %rsqrt3A : vector<1000x1xf32> to vector<1000x128xf32>
    %mul3A_13 = arith.mulf %mul3A, %add3A_12 : vector<1000x128xf32>
    %get3A_14 = arith.constant 0 : index
    %get3A_15 = arith.constant 0 : index
    %get3A_16 = vector.load %arg5[%get3A_14, %get3A_15] : memref<1x128xf32, #tpu.memory_space<vmem>>, vector<1x128xf32>
    %add3A_17 = vector.broadcast %get3A_16 : vector<1x128xf32> to vector<1000x128xf32>
    %add3A_18 = arith.addf %mul3A_13, %add3A_17 : vector<1000x128xf32>
    %ge3A = arith.constant 0.000000e+00 : f32
    %ge3A_19 = vector.broadcast %ge3A : f32 to vector<1000x128xf32>
    %ge3A_20 = arith.cmpf oge, %add3A_18, %ge3A_19 : vector<1000x128xf32>
    %mul3A_21 = arith.constant 0.00999999977 : f32
    %mul3A_22 = vector.broadcast %mul3A_21 : f32 to vector<1000x128xf32>
    %mul3A_23 = arith.mulf %mul3A_22, %add3A_18 : vector<1000x128xf32>
    %select_n3A = arith.select %ge3A_20, %add3A_18, %mul3A_23 : vector<1000x128xi1>, vector<1000x128xf32>
    %get3A_24 = arith.constant 0 : index
    %get3A_25 = arith.constant 0 : index
    %get3A_26 = arith.constant 0 : index
    %get3A_27 = vector.load %arg1[%get3A_24, %get3A_25, %get3A_26] : memref<1x1x1000xi32, #tpu.memory_space<vmem>>, vector<1x1x1000xi32>
    %get3A_28 = vector.shape_cast %get3A_27 : vector<1x1x1000xi32> to vector<1x1000xi32>
    %iota3A = tpu.iota {dimensions = array<i32: 0>} : vector<64x1000xi32>
    %eq3A_29 = vector.broadcast %get3A_28 : vector<1x1000xi32> to vector<64x1000xi32>
    %eq3A_30 = arith.cmpi eq, %eq3A_29, %iota3A : vector<64x1000xi32>
    %convert_element_type3A_31 = arith.extui %eq3A_30 : vector<64x1000xi1> to vector<64x1000xi32>
    %convert_element_type3A_32 = arith.sitofp %convert_element_type3A_31 : vector<64x1000xi32> to vector<64x1000xf32>
    %get3A_33 = arith.constant 0 : index
    %get3A_34 = arith.constant 0 : index
    %get3A_35 = vector.load %arg18[%get3A_33, %get3A_34] : memref<64x128xf32, #tpu.memory_space<vmem>>, vector<64x128xf32>
    %dot_general3A = arith.constant dense<0.000000e+00> : vector<64x128xf32>
    %dot_general3A_36 = tpu.matmul %convert_element_type3A_32, %select_n3A, %dot_general3A {dimension_numbers = #tpu.dot_dimension_numbers<[1], [0], [0], [1], [0, 0, 1, 1], [], []>, transpose_lhs_hint = false} : vector<64x1000xf32>, vector<1000x128xf32>, vector<64x128xf32> -> vector<64x128xf32>
    %add3A_37 = arith.addf %get3A_35, %dot_general3A_36 : vector<64x128xf32>
    %swap3A = arith.constant 0 : index
    %swap3A_38 = arith.constant 0 : index
    %swap3A_39 = vector.load %arg18[%swap3A, %swap3A_38] : memref<64x128xf32, #tpu.memory_space<vmem>>, vector<64x128xf32>
    tpu.vector_store %arg18[%swap3A, %swap3A_38], %add3A_37 {strides = array<i32>} : memref<64x128xf32, #tpu.memory_space<vmem>>, vector<64x128xf32>,
    %get3A_40 = arith.constant 0 : index
    %get3A_41 = arith.constant 0 : index
    %get3A_42 = vector.load %arg19[%get3A_40, %get3A_41] : memref<64x1xf32, #tpu.memory_space<vmem>>, vector<64x1xf32>
    %reduce_sum3A = arith.constant dense<0.000000e+00> : vector<64xf32>
    %reduce_sum3A_43 = vector.multi_reduction <add>, %convert_element_type3A_32, %reduce_sum3A [1] : vector<64x1000xf32> to vector<64xf32>
    %broadcast_in_dim3A = vector.shape_cast %reduce_sum3A_43 : vector<64xf32> to vector<64x1xf32>
    %add3A_44 = arith.addf %get3A_42, %broadcast_in_dim3A : vector<64x1xf32>
    %swap3A_45 = arith.constant 0 : index
    %swap3A_46 = arith.constant 0 : index
    %swap3A_47 = vector.load %arg19[%swap3A_45, %swap3A_46] : memref<64x1xf32, #tpu.memory_space<vmem>>, vector<64x1xf32>
    tpu.vector_store %arg19[%swap3A_45, %swap3A_46], %add3A_44 {strides = array<i32>} : memref<64x1xf32, #tpu.memory_space<vmem>>, vector<64x1xf32>,
    %get3A_48 = arith.constant 0 : index
    %get3A_49 = arith.constant 0 : index
    %get3A_50 = vector.load %arg11[%get3A_48, %get3A_49] : memref<1000x1xf32, #tpu.memory_space<vmem>>, vector<1000x1xf32>
    %add3A_51 = arith.constant 1.000000e+00 : f32
    %add3A_52 = vector.broadcast %add3A_51 : f32 to vector<1000x1xf32>
    %add3A_53 = arith.addf %get3A_50, %add3A_52 : vector<1000x1xf32>
    %rsqrt3A_54 = math.rsqrt %add3A_53 : vector<1000x1xf32>
    %get3A_55 = arith.constant 0 : index
    %get3A_56 = arith.constant 0 : index
    %get3A_57 = vector.load %arg9[%get3A_55, %get3A_56] : memref<1000x128xf32, #tpu.memory_space<vmem>>, vector<1000x128xf32>
    %get3A_58 = arith.constant 0 : index
    %get3A_59 = arith.constant 0 : index
    %get3A_60 = vector.load %arg10[%get3A_58, %get3A_59] : memref<1000x128xf32, #tpu.memory_space<vmem>>, vector<1000x128xf32>
    %add3A_61 = arith.addf %get3A_57, %get3A_60 : vector<1000x128xf32>
    %mul3A_62 = vector.broadcast %rsqrt3A_54 : vector<1000x1xf32> to vector<1000x128xf32>
    %mul3A_63 = arith.mulf %mul3A_62, %add3A_61 : vector<1000x128xf32>
    %get3A_64 = arith.constant 0 : index
    %get3A_65 = arith.constant 0 : index
    %get3A_66 = vector.load %arg12[%get3A_64, %get3A_65] : memref<1x128xf32, #tpu.memory_space<vmem>>, vector<1x128xf32>
    %add3A_67 = vector.broadcast %get3A_66 : vector<1x128xf32> to vector<1000x128xf32>
    %add3A_68 = arith.addf %mul3A_63, %add3A_67 : vector<1000x128xf32>
    %ge3A_69 = arith.constant 0.000000e+00 : f32
    %ge3A_70 = vector.broadcast %ge3A_69 : f32 to vector<1000x128xf32>
    %ge3A_71 = arith.cmpf oge, %add3A_68, %ge3A_70 : vector<1000x128xf32>
    %mul3A_72 = arith.constant 0.00999999977 : f32
    %mul3A_73 = vector.broadcast %mul3A_72 : f32 to vector<1000x128xf32>
    %mul3A_74 = arith.mulf %mul3A_73, %add3A_68 : vector<1000x128xf32>
    %select_n3A_75 = arith.select %ge3A_71, %add3A_68, %mul3A_74 : vector<1000x128xi1>, vector<1000x128xf32>
    %get3A_76 = arith.constant 0 : index
    %get3A_77 = arith.constant 0 : index
    %get3A_78 = arith.constant 0 : index
    %get3A_79 = vector.load %arg8[%get3A_76, %get3A_77, %get3A_78] : memref<1x1x1000xi32, #tpu.memory_space<vmem>>, vector<1x1x1000xi32>
    %get3A_80 = vector.shape_cast %get3A_79 : vector<1x1x1000xi32> to vector<1x1000xi32>
    %iota3A_81 = tpu.iota {dimensions = array<i32: 0>} : vector<64x1000xi32>
    %eq3A_82 = vector.broadcast %get3A_80 : vector<1x1000xi32> to vector<64x1000xi32>
    %eq3A_83 = arith.cmpi eq, %eq3A_82, %iota3A_81 : vector<64x1000xi32>
    %convert_element_type3A_84 = arith.extui %eq3A_83 : vector<64x1000xi1> to vector<64x1000xi32>
    %convert_element_type3A_85 = arith.sitofp %convert_element_type3A_84 : vector<64x1000xi32> to vector<64x1000xf32>
    %get3A_86 = arith.constant 0 : index
    %get3A_87 = arith.constant 0 : index
    %get3A_88 = vector.load %arg20[%get3A_86, %get3A_87] : memref<64x128xf32, #tpu.memory_space<vmem>>, vector<64x128xf32>
    %dot_general3A_89 = arith.constant dense<0.000000e+00> : vector<64x128xf32>
    %dot_general3A_90 = tpu.matmul %convert_element_type3A_85, %select_n3A_75, %dot_general3A_89 {dimension_numbers = #tpu.dot_dimension_numbers<[1], [0], [0], [1], [0, 0, 1, 1], [], []>, transpose_lhs_hint = false} : vector<64x1000xf32>, vector<1000x128xf32>, vector<64x128xf32> -> vector<64x128xf32>
    %add3A_91 = arith.addf %get3A_88, %dot_general3A_90 : vector<64x128xf32>
    %swap3A_92 = arith.constant 0 : index
    %swap3A_93 = arith.constant 0 : index
    %swap3A_94 = vector.load %arg20[%swap3A_92, %swap3A_93] : memref<64x128xf32, #tpu.memory_space<vmem>>, vector<64x128xf32>
    tpu.vector_store %arg20[%swap3A_92, %swap3A_93], %add3A_91 {strides = array<i32>} : memref<64x128xf32, #tpu.memory_space<vmem>>, vector<64x128xf32>,
    %get3A_95 = arith.constant 0 : index
    %get3A_96 = arith.constant 0 : index
    %get3A_97 = vector.load %arg21[%get3A_95, %get3A_96] : memref<64x1xf32, #tpu.memory_space<vmem>>, vector<64x1xf32>
    %reduce_sum3A_98 = arith.constant dense<0.000000e+00> : vector<64xf32>
    %reduce_sum3A_99 = vector.multi_reduction <add>, %convert_element_type3A_85, %reduce_sum3A_98 [1] : vector<64x1000xf32> to vector<64xf32>
    %broadcast_in_dim3A_100 = vector.shape_cast %reduce_sum3A_99 : vector<64xf32> to vector<64x1xf32>
    %add3A_101 = arith.addf %get3A_97, %broadcast_in_dim3A_100 : vector<64x1xf32>
    %swap3A_102 = arith.constant 0 : index
    %swap3A_103 = arith.constant 0 : index
    %swap3A_104 = vector.load %arg21[%swap3A_102, %swap3A_103] : memref<64x1xf32, #tpu.memory_space<vmem>>, vector<64x1xf32>
    tpu.vector_store %arg21[%swap3A_102, %swap3A_103], %add3A_101 {strides = array<i32>} : memref<64x1xf32, #tpu.memory_space<vmem>>, vector<64x1xf32>,
    %eq3A_105 = arith.constant 9 : i32
    %eq3A_106 = arith.cmpi eq, %arg0, %eq3A_105 : i32
    %convert_element_type3A_107 = arith.extui %eq3A_106 : i1 to i32
    %cond3A_108 = arith.constant 0 : i32
    %cond3A_109 = arith.cmpi ne, %convert_element_type3A_107, %cond3A_108 : i32
    scf.if %cond3A_109 {
      %get3A_110 = arith.constant 0 : index
      %get3A_111 = arith.constant 0 : index
      %get3A_112 = vector.load %arg18[%get3A_110, %get3A_111] : memref<64x128xf32, #tpu.memory_space<vmem>>, vector<64x128xf32>
      %get3A_113 = arith.constant 0 : index
      %get3A_114 = arith.constant 0 : index
      %get3A_115 = vector.load %arg19[%get3A_113, %get3A_114] : memref<64x1xf32, #tpu.memory_space<vmem>>, vector<64x1xf32>
      %jit3A = arith.constant 1.000000e+00 : f32
      %max3A = vector.broadcast %jit3A : f32 to vector<64x1xf32>
      %max3A_116 = arith.maximumf %max3A, %get3A_115 : vector<64x1xf32>
      %div3A = vector.broadcast %max3A_116 : vector<64x1xf32> to vector<64x128xf32>
      %div3A_117 = arith.divf %get3A_112, %div3A : vector<64x128xf32>
      %get3A_118 = arith.constant 0 : index
      %get3A_119 = arith.constant 0 : index
      %get3A_120 = vector.load %arg6[%get3A_118, %get3A_119] : memref<128x128xf32, #tpu.memory_space<vmem>>, vector<128x128xf32>
      %dot_general3A_121 = arith.constant dense<0.000000e+00> : vector<64x128xf32>
      %dot_general3A_122 = tpu.matmul %div3A_117, %get3A_120, %dot_general3A_121 {dimension_numbers = #tpu.dot_dimension_numbers<[1], [0], [0], [1], [0, 0, 1, 1], [], []>, transpose_lhs_hint = false} : vector<64x128xf32>, vector<128x128xf32>, vector<64x128xf32> -> vector<64x128xf32>
      %get3A_123 = arith.constant 0 : index
      %get3A_124 = arith.constant 0 : index
      %get3A_125 = vector.load %arg7[%get3A_123, %get3A_124] : memref<1x128xf32, #tpu.memory_space<vmem>>, vector<1x128xf32>
      %add3A_126 = vector.broadcast %get3A_125 : vector<1x128xf32> to vector<64x128xf32>
      %add3A_127 = arith.addf %dot_general3A_122, %add3A_126 : vector<64x128xf32>
      %ge3A_128 = arith.constant 0.000000e+00 : f32
      %ge3A_129 = vector.broadcast %ge3A_128 : f32 to vector<64x128xf32>
      %ge3A_130 = arith.cmpf oge, %add3A_127, %ge3A_129 : vector<64x128xf32>
      %mul3A_131 = arith.constant 0.00999999977 : f32
      %mul3A_132 = vector.broadcast %mul3A_131 : f32 to vector<64x128xf32>
      %mul3A_133 = arith.mulf %mul3A_132, %add3A_127 : vector<64x128xf32>
      %select_n3A_134 = arith.select %ge3A_130, %add3A_127, %mul3A_133 : vector<64x128xi1>, vector<64x128xf32>
      %get3A_135 = arith.constant 0 : index
      %get3A_136 = arith.constant 0 : index
      %get3A_137 = vector.load %arg20[%get3A_135, %get3A_136] : memref<64x128xf32, #tpu.memory_space<vmem>>, vector<64x128xf32>
      %get3A_138 = arith.constant 0 : index
      %get3A_139 = arith.constant 0 : index
      %get3A_140 = vector.load %arg21[%get3A_138, %get3A_139] : memref<64x1xf32, #tpu.memory_space<vmem>>, vector<64x1xf32>
      %jit3A_141 = arith.constant 1.000000e+00 : f32
      %max3A_142 = vector.broadcast %jit3A_141 : f32 to vector<64x1xf32>
      %max3A_143 = arith.maximumf %max3A_142, %get3A_140 : vector<64x1xf32>
      %div3A_144 = vector.broadcast %max3A_143 : vector<64x1xf32> to vector<64x128xf32>
      %div3A_145 = arith.divf %get3A_137, %div3A_144 : vector<64x128xf32>
      %get3A_146 = arith.constant 0 : index
      %get3A_147 = arith.constant 0 : index
      %get3A_148 = vector.load %arg13[%get3A_146, %get3A_147] : memref<128x128xf32, #tpu.memory_space<vmem>>, vector<128x128xf32>
      %dot_general3A_149 = arith.constant dense<0.000000e+00> : vector<64x128xf32>
      %dot_general3A_150 = tpu.matmul %div3A_145, %get3A_148, %dot_general3A_149 {dimension_numbers = #tpu.dot_dimension_numbers<[1], [0], [0], [1], [0, 0, 1, 1], [], []>, transpose_lhs_hint = false} : vector<64x128xf32>, vector<128x128xf32>, vector<64x128xf32> -> vector<64x128xf32>
      %get3A_151 = arith.constant 0 : index
      %get3A_152 = arith.constant 0 : index
      %get3A_153 = vector.load %arg14[%get3A_151, %get3A_152] : memref<1x128xf32, #tpu.memory_space<vmem>>, vector<1x128xf32>
      %add3A_154 = vector.broadcast %get3A_153 : vector<1x128xf32> to vector<64x128xf32>
      %add3A_155 = arith.addf %dot_general3A_150, %add3A_154 : vector<64x128xf32>
      %ge3A_156 = arith.constant 0.000000e+00 : f32
      %ge3A_157 = vector.broadcast %ge3A_156 : f32 to vector<64x128xf32>
      %ge3A_158 = arith.cmpf oge, %add3A_155, %ge3A_157 : vector<64x128xf32>
      %mul3A_159 = arith.constant 0.00999999977 : f32
      %mul3A_160 = vector.broadcast %mul3A_159 : f32 to vector<64x128xf32>
      %mul3A_161 = arith.mulf %mul3A_160, %add3A_155 : vector<64x128xf32>
      %select_n3A_162 = arith.select %ge3A_158, %add3A_155, %mul3A_161 : vector<64x128xi1>, vector<64x128xf32>
      %concatenate3A = tpu.concatenate %select_n3A_134, %select_n3A_162 in 1 : vector<64x128xf32>, vector<64x128xf32> -> vector<64x256xf32>
      %get3A_163 = arith.constant 0 : index
      %get3A_164 = arith.constant 0 : index
      %get3A_165 = vector.load %arg15[%get3A_163, %get3A_164] : memref<256x1xf32, #tpu.memory_space<vmem>>, vector<256x1xf32>
      %dot_general3A_166 = arith.constant dense<0.000000e+00> : vector<64x1xf32>
      %dot_general3A_167 = tpu.matmul %concatenate3A, %get3A_165, %dot_general3A_166 {dimension_numbers = #tpu.dot_dimension_numbers<[1], [0], [0], [1], [0, 0, 1, 1], [], []>, transpose_lhs_hint = false} : vector<64x256xf32>, vector<256x1xf32>, vector<64x1xf32> -> vector<64x1xf32>
      %get3A_168 = arith.constant 0 : index
      %get3A_169 = arith.constant 0 : index
      %get3A_170 = vector.load %arg16[%get3A_168, %get3A_169] : memref<1x1xf32, #tpu.memory_space<vmem>>, vector<1x1xf32>
      %add3A_171 = vector.broadcast %get3A_170 : vector<1x1xf32> to vector<64x1xf32>
      %add3A_172 = arith.addf %dot_general3A_167, %add3A_171 : vector<64x1xf32>
      %swap3A_173 = arith.constant 0 : index
      %swap3A_174 = arith.constant 0 : index
      %swap3A_175 = vector.load %arg17[%swap3A_173, %swap3A_174] : memref<64x1xf32, #tpu.memory_space<vmem>>, vector<64x1xf32>
      tpu.vector_store %arg17[%swap3A_173, %swap3A_174], %add3A_172 {strides = array<i32>} : memref<64x1xf32, #tpu.memory_space<vmem>>, vector<64x1xf32>,
    } else {
    }
    return
  }
  func.func @transform_0(%arg0: i32) -> (i32, i32, i32) {
    %c0_i32 = arith.constant 0 : i32
    %c0_i32_0 = arith.constant 0 : i32
    %c0_i32_1 = arith.constant 0 : i32
    return %arg0, %c0_i32, %c0_i32_0 : i32, i32, i32
  }
  func.func @transform_1(%arg0: i32) -> (i32, i32) {
    %c0_i32 = arith.constant 0 : i32
    %c0_i32_0 = arith.constant 0 : i32
    return %arg0, %c0_i32 : i32, i32
  }
  func.func @transform_2(%arg0: i32) -> (i32, i32) {
    %c0_i32 = arith.constant 0 : i32
    %c0_i32_0 = arith.constant 0 : i32
    return %arg0, %c0_i32 : i32, i32
  }
  func.func @transform_3(%arg0: i32) -> (i32, i32) {
    %c0_i32 = arith.constant 0 : i32
    %c0_i32_0 = arith.constant 0 : i32
    return %arg0, %c0_i32 : i32, i32
  }
  func.func @transform_4(%arg0: i32) -> (i32, i32) {
    %c0_i32 = arith.constant 0 : i32
    %c0_i32_0 = arith.constant 0 : i32
    %c0_i32_1 = arith.constant 0 : i32
    return %c0_i32, %c0_i32_0 : i32, i32
  }
  func.func @transform_5(%arg0: i32) -> (i32, i32) {
    %c0_i32 = arith.constant 0 : i32
    %c0_i32_0 = arith.constant 0 : i32
    %c0_i32_1 = arith.constant 0 : i32
    return %c0_i32, %c0_i32_0 : i32, i32
  }
  func.func @transform_6(%arg0: i32) -> (i32, i32) {
    %c0_i32 = arith.constant 0 : i32
    %c0_i32_0 = arith.constant 0 : i32
    %c0_i32_1 = arith.constant 0 : i32
    return %c0_i32, %c0_i32_0 : i32, i32
  }
  func.func @transform_7(%arg0: i32) -> (i32, i32, i32) {
    %c0_i32 = arith.constant 0 : i32
    %c0_i32_0 = arith.constant 0 : i32
    %c0_i32_1 = arith.constant 0 : i32
    return %arg0, %c0_i32, %c0_i32_0 : i32, i32, i32
  }
  func.func @transform_8(%arg0: i32) -> (i32, i32) {
    %c0_i32 = arith.constant 0 : i32
    %c0_i32_0 = arith.constant 0 : i32
    return %arg0, %c0_i32 : i32, i32
  }
  func.func @transform_9(%arg0: i32) -> (i32, i32) {
    %c0_i32 = arith.constant 0 : i32
    %c0_i32_0 = arith.constant 0 : i32
    return %arg0, %c0_i32 : i32, i32
  }
  func.func @transform_10(%arg0: i32) -> (i32, i32) {
    %c0_i32 = arith.constant 0 : i32
    %c0_i32_0 = arith.constant 0 : i32
    return %arg0, %c0_i32 : i32, i32
  }
  func.func @transform_11(%arg0: i32) -> (i32, i32) {
    %c0_i32 = arith.constant 0 : i32
    %c0_i32_0 = arith.constant 0 : i32
    %c0_i32_1 = arith.constant 0 : i32
    return %c0_i32, %c0_i32_0 : i32, i32
  }
  func.func @transform_12(%arg0: i32) -> (i32, i32) {
    %c0_i32 = arith.constant 0 : i32
    %c0_i32_0 = arith.constant 0 : i32
    %c0_i32_1 = arith.constant 0 : i32
    return %c0_i32, %c0_i32_0 : i32, i32
  }
  func.func @transform_13(%arg0: i32) -> (i32, i32) {
    %c0_i32 = arith.constant 0 : i32
    %c0_i32_0 = arith.constant 0 : i32
    %c0_i32_1 = arith.constant 0 : i32
    return %c0_i32, %c0_i32_0 : i32, i32
  }
  func.func @transform_14(%arg0: i32) -> (i32, i32) {
    %c0_i32 = arith.constant 0 : i32
    %c0_i32_0 = arith.constant 0 : i32
    %c0_i32_1 = arith.constant 0 : i32
    return %c0_i32, %c0_i32_0 : i32, i32
  }
  func.func @transform_15(%arg0: i32) -> (i32, i32) {
    %c0_i32 = arith.constant 0 : i32
    %c0_i32_0 = arith.constant 0 : i32
    %c0_i32_1 = arith.constant 0 : i32
    return %c0_i32, %c0_i32_0 : i32, i32
  }
  func.func @transform_16(%arg0: i32) -> (i32, i32) {
    %c0_i32 = arith.constant 0 : i32
    %c0_i32_0 = arith.constant 0 : i32
    %c0_i32_1 = arith.constant 0 : i32
    return %c0_i32, %c0_i32_0 : i32, i32
  }
}

</mosaic_0001>

<sc_bundles>
// kernel: kernel.6.cloned.1.call-start
scs
__scs_entry_jumppad:
0x0: {  	(pc) =	sbr.rel $0x88, $3  }
0x1: {  	(tag) =	ssettag $0x0;
	lr =	simm.s32 $0x1  }
0x2: {  	[smem:$0x3F91] =	sst lr;
	_ =	strace $0xD0000000  }
0x3: {  	_ = 	snop  }
0x4: {  	_ = 	snop  }
0x5: {  	_ = 	snop  }
0x6: {  	_ = 	snop  }
0x7: {  	_ = 	snop  }
__scs_overlays_trampoline_lowered:
0x8: {  	[smem:$0x3FA0] =	sst s0  }
0x9: {  	[smem:$0x3FA1] =	sst s1  }
0xa: {  	[smem:$0x3FA2] =	sst s2  }
0xb: {  	[smem:$0x3FA3] =	sst s3  }
0xc: {  	[smem:$0x3FA4] =	sst s4  }
0xd: {  	[smem:$0x3FA5] =	sst s5  }
0xe: {  	[smem:$0x3FA6] =	sst s6  }
0xf: {  	[smem:$0x3FA7] =	sst s7  }
0x10: {  	[smem:$0x3FA8] =	sst s8  }
0x11: {  	[smem:$0x3FA9] =	sst s9;
	s0 =	simm.s32 @!p0 $0x0  }
0x12: {  	s1 =	sld [smem:$0x3F8F];
	s0 =	simm.s32 @p0 $0x1  }
0x13: {  	[smem:$0x3FAA] =	sst s0;
	s0 =	simm.s32 @!p1 $0x0  }
0x14: {  	s2 =	sld [smem:$0x3F8E];
	s0 =	simm.s32 @p1 $0x1  }
0x15: {  	[smem:$0x3FAB] =	sst s0;
	s0 =	simm.s32 @!p2 $0x0  }
0x16: {  	s3 =	sld [smem:$0x3FDB];
	s0 =	simm.s32 @p2 $0x1  }
0x17: {  	s4 =	simm.s32 $0x1BF5;
	[smem:$0x3FAD] =	sst s0  }
0x18: {  	s0 =	sld [smem:$0x3F90];
	_ =	swait.ge [sflag:s4], $0x0  }
0x19: {  	s7 =	sld [smem:$0x3F91]  }
0x1a: {  	s8 =	sadd.s32 $0xFFFFE003, lr  }
0x1b: {  	s9 =	sadd.s32 $0xFFFFFEF7, lr;
	s5 =	simm.s32 $0xFFFFFFFF;
	p2 =	slt.u32 s8, $0xFFFFF086  }
0x1c: {  	p1 =	slt.u32 s9, $0xF7A;
	s5 =	simm.s32 @!p2 $0x0  }
0x1d: {  	s5 =	simm.s32 @p1 $0x1;
	p0 =	seq.s32 s7, s2  }
0x1e: {  	s7 =	smul.u32 @!p0 $0xF7A, s2;
	p2 =	seq.s32 @!p0 s5, $0x0  }
0x1f: {  	s9 =	smul.u32 $0xF7A, s1;
	s8 =	simm.s32 @!p0 $0x1BF5;
	p2 =	por !p2, p0  }
0x20: {  	[sflag:s8] =	ssyncset.s32 @!p0 $0xFFFFF086;
	s6 =	sadd.s32 @!p0 s3, s7;
	s7 =	simm.s32 @!p0 $0x108  }
0x21: {  	s3 =	sadd.s32 s3, s9;
	s6 =	sadd.s32 @!p0 $0x88, s6;
	s7 =	simm.s32 @p2 $0x1082  }
0x22: {  	[simem:s7], [sflag:s8] =	dma.local @!p0 [hbm:s6], $0xF7A  }
0x23: {  	s9 =	sor.u32 $0xD0000000, s2;
	s6 =	simm.s32 $0x108;
	_ =	swait.ge @!p0 [sflag:s8], $0x0  }
0x24: {  	s3 =	sadd.s32 $0x88, s3;
	s6 =	simm.s32 @!p1 $0x1082;
	[sflag:s4] =	ssyncset.s32 $0xFFFFF086  }
0x25: {  	[simem:s6], [sflag:s4] =	dma.local [hbm:s3], $0xF7A  }
0x26: {  	[smem:$0x3F91] =	sst s1;
	(tag) =	ssettag s2;
	_ =	strace s9  }
0x27: {  	s1 =	sld [smem:$0x3FA1]  }
0x28: {  	s2 =	sld [smem:$0x3FA2]  }
0x29: {  	s4 =	sld [smem:$0x3FA4]  }
0x2a: {  	p0 =	seq.s32 s5, $0x0;
	s5 =	sld [smem:$0x3FA5]  }
0x2b: {  	s6 =	sld [smem:$0x3FA6]  }
0x2c: {  	s7 =	sld [smem:$0x3FA7]  }
0x2d: {  	s3 =	simm.s32 $0x108;
	s8 =	sld [smem:$0x3FA8]  }
0x2e: {  	s3 =	simm.s32 @!p0 $0x1082;
	s9 =	sld [smem:$0x3FA9]  }
0x2f: {  	lr =	sadd.s32 s0, s3;
	s0 =	sld [smem:$0x3FA0]  }
0x30: {  	s3 =	sld [smem:$0x3FA3]  }
0x31: {  	[smem:$0x3FAC] =	sst s10  }
0x32: {  	s10 =	sld [smem:$0x3FAA];
	_ =	sdelay $0x3  }
0x33: {  	p0 =	seq.s32 s10, $0x1;
	s10 =	sld [smem:$0x3FAC];
	_ =	sdelay $0x3  }
0x34: {  	[smem:$0x3FAC] =	sst s10  }
0x35: {  	s10 =	sld [smem:$0x3FAB];
	_ =	sdelay $0x3  }
0x36: {  	p1 =	seq.s32 s10, $0x1;
	s10 =	sld [smem:$0x3FAC];
	_ =	sdelay $0x3  }
0x37: {  	[smem:$0x3FAC] =	sst s10  }
0x38: {  	s10 =	sld [smem:$0x3FAD]  }
0x39: {  	_ = 	snop;
	(pc) =	sbr.ind lr, $3  }
0x3a: {  	_ = 	snop  }
0x3b: {  	_ = 	snop  }
0x3c: {  	p2 =	seq.s32 s10, $0x1;
	s10 =	sld [smem:$0x3FAC]  }
0x3d: {  	_ =	shalt  }
0x3e: {  	_ =	shalt  }
0x3f: {  	_ =	shalt  }
0x40: {  	_ =	shalt  }
0x41: {  	_ =	shalt  }
0x42: {  	_ =	shalt  }
0x43: {  	_ =	shalt  }
0x44: {  	_ =	shalt  }
0x45: {  	_ =	shalt  }
0x46: {  	_ =	shalt  }
0x47: {  	_ =	shalt  }
0x48: {  	_ =	shalt  }
0x49: {  	_ =	shalt  }
0x4a: {  	_ =	shalt  }
0x4b: {  	_ =	shalt  }
0x4c: {  	_ =	shalt  }
0x4d: {  	_ =	shalt  }
0x4e: {  	_ =	shalt  }
0x4f: {  	_ =	shalt  }
0x50: {  	_ =	shalt  }
0x51: {  	_ =	shalt  }
0x52: {  	_ =	shalt  }
0x53: {  	_ =	shalt  }
0x54: {  	_ =	shalt  }
0x55: {  	_ =	shalt  }
0x56: {  	_ =	shalt  }
0x57: {  	_ =	shalt  }
0x58: {  	_ =	shalt  }
0x59: {  	_ =	shalt  }
0x5a: {  	_ =	shalt  }
0x5b: {  	_ =	shalt  }
0x5c: {  	_ =	shalt  }
0x5d: {  	_ =	shalt  }
0x5e: {  	_ =	shalt  }
0x5f: {  	_ =	shalt  }
0x60: {  	_ =	shalt  }
0x61: {  	_ =	shalt  }
0x62: {  	_ =	shalt  }
0x63: {  	_ =	shalt  }
0x64: {  	_ =	shalt  }
0x65: {  	_ =	shalt  }
0x66: {  	_ =	shalt  }
0x67: {  	_ =	shalt  }
0x68: {  	_ =	shalt  }
0x69: {  	_ =	shalt  }
0x6a: {  	_ =	shalt  }
0x6b: {  	_ =	shalt  }
0x6c: {  	_ =	shalt  }
0x6d: {  	_ =	shalt  }
0x6e: {  	_ =	shalt  }
0x6f: {  	_ =	shalt  }
0x70: {  	_ =	shalt  }
0x71: {  	_ =	shalt  }
0x72: {  	_ =	shalt  }
0x73: {  	_ =	shalt  }
0x74: {  	_ =	shalt  }
0x75: {  	_ =	shalt  }
0x76: {  	_ =	shalt  }
0x77: {  	_ =	shalt  }
0x78: {  	_ =	shalt  }
0x79: {  	_ =	shalt  }
0x7a: {  	_ =	shalt  }
0x7b: {  	_ =	shalt  }
0x7c: {  	_ =	shalt  }
0x7d: {  	_ =	shalt  }
0x7e: {  	_ =	shalt  }
0x7f: {  	_ =	shalt  }
0x80: {  	_ =	shalt  }
0x81: {  	_ =	shalt  }
0x82: {  	_ =	shalt  }
0x83: {  	_ =	shalt  }
0x84: {  	_ =	shalt  }
0x85: {  	_ =	shalt  }
0x86: {  	_ =	shalt  }
0x87: {  	_ =	shalt  }
.Lfunc_end0:
.L_simem_size_0:
called_computation_lowered:
.L_overlay_start_0:
0x88: {  	s2 =	sld [smem:$0x3FD9]  }
0x89: {  	s3 =	sld [smem:$0x3FFE];
	_ =	sdelay $0x1  }
0x8a: {  	s1 =	srdreg.scid  }
0x8b: {  	s0 =	sand.u32 $0x1, s1  }
0x8c: {  	s16 =	sshll.u32 s0, $0xA;
	s2 =	sadd.s32 s3, s2  }
0x8d: {  	s2 =	sadd.s32 s2, s16  }
0x8e: {  	[smem:$0x3FB8] =	sst s2  }
0x8f: {  	_ = 	snop  }
0x90: {  	(tm) =	ssettm $0x1  }
0x91: {  	s17 =	sld [smem:$0x3FFB];
	_ =	sdelay $0x3  }
0x92: {  	_ =	strace s17  }
0x93: {  	s2 =	sld [smem:$0x3FFC];
	_ =	sdelay $0x3  }
0x94: {  	_ =	strace s2  }
0x95: {  	s2 =	sld [smem:$0x3FFD];
	_ =	sdelay $0x3  }
0x96: {  	_ =	strace s2  }
0x97: {  	_ =	strace $0x8FFFFFFF  }
0x98: {  	s18 =	sld [smem:$0x3FDB];
	_ =	sdelay $0x1  }
0x99: {  	s19 =	simm.s32 $_scs_section_size  }
0x9a: {  	s4 =	simm.s32 $_size__tile_overlayer_lowered;
	s5 =	simm.s32 $_tile_overlayer_lowered  }
0x9b: {  	s22 =	simm.s32 $0x1BFF;
	s21 =	sshll.u32 s5, $0x1;
	s2 =	sadd.s32 s19, s18  }
0x9c: {  	s6 =	simm.s32 $0x0;
	s20 =	sshll.u32 s4, $0x1;
	s4 =	sadd.s32 s21, s2  }
0x9d: {  	[timem:s6], [sflag:s22] =	dma.local [hbm:s4], s20  }
0x9e: {  	_ =	swait.ge [sflag:s22], s20  }
0x9f: {  	s3 =	ssub.s32 $0x0, s20;
	[sflag:s22] =	ssyncset.done $0x0  }
0xa0: {  	[sflag:s22] =	ssyncadd.s32 s3;
	_ =	sdelay $0x1  }
0xa1: {  	s23 =	simm.s32 $0x1B8B  }
0xa2: {  	_ =	swait.ge [sflag:s23], $0x1  }
0xa3: {  	[sflag:s23] =	ssyncset.done $0x0  }
0xa4: {  	s25 =	simm.s32 $0x1B8E;
	s24 =	sld [smem:$0x3FFE];
	[sflag:s23] =	ssyncadd.s32 $0xFFFFFFFF  }
0xa5: {  	s26 =	simm.s32 $execute0_lowered;
	[smem:$0x3FD2] =	sst s25  }
0xa6: {  	s4 =	sshll.u32 s26, $0x1;
	_ =	strace $0x80000046;
	[dreg:$0x1] =	wrdreg $0xFFFFFFFF  }
0xa7: {  	s28 =	simm.s32 $_size_execute0_lowered;
	s2 =	sadd.s32 s2, s4;
	[dreg:$0x0] =	wrdreg $0x0  }
0xa8: {  	s4 =	sshll.u32 s28, $0x1;
	[dreg:$0x2] =	wrdreg s2  }
0xa9: {  	[dreg:$0x3] =	wrdreg s4  }
0xaa: {  	[dreg:$0x4] =	wrdreg $0xC0  }
0xab: {  	_ =	task [dreg:s6], $0x5FFFF  }
0xac: {  	[dreg:$0x1] =	wrdreg $0xFFFFFFFF  }
0xad: {  	[dreg:$0x0] =	wrdreg $0x60  }
0xae: {  	[dreg:$0x2] =	wrdreg s24  }
0xaf: {  	[dreg:$0x3] =	wrdreg $0x53000  }
0xb0: {  	[dreg:$0x4] =	wrdreg $0x9  }
0xb1: {  	_ =	task.clear_ibuf [dreg:s6], $0x5FFFF;
	_ =	strace $0x90000046  }
0xb2: {  	s29 =	simm.s32 $0x9;
	_ =	strace $0x80000048  }
0xb3: {  	_ =	swait.ge [sflag:s29], $0x1  }
0xb4: {  	[sflag:s29] =	ssyncadd.s32 $0xFFFFFFFF  }
0xb5: {  	_ =	strace $0x90000048  }
0xb6: {  	_ =	sfence  }
0xb7: {  	s30 =	sld [smem:$0x0];
	_ =	sdelay $0x2  }
0xb8: {  	s31 =	sshll.u32 s1, $0xD;
	s1 =	sshrl.u32 s1, $0x2  }
0xb9: {  	s3 =	sand.u32 $0x4000, s31;
	s1 =	sadd.s32 s1, s30  }
0xba: {  	s0 =	sor.u32 s3, s0;
	s1 =	sshll.u32 s1, $0x11  }
0xbb: {  	s0 =	sor.u32 s1, s0  }
0xbc: {  	s0 =	sadd.s32 $0x8F2B, s0  }
0xbd: {  	[sflag:s0] =	ssyncadd.remote.s32 $0x1  }
0xbe: {  	_ =	sfence.sel $0xFFFF  }
0xbf: {  	[dreg:$0x0] =	wrdreg $0xFFFFFFFF;
	(pc) =	sbr.abs _section_cstart, $3  }
0xc0: {  	[dreg:$0x1] =	wrdreg $0xFFFFFFFF  }
0xc1: {  	_ =	task.clear_ibuf [dreg:s6], $0x2FFFF;
	_ =	strace $0x9FFFFFFF  }
0xc2: {  	(tm) =	ssettm $0x7FFFFFFF  }
0xc3: {  	_ =	shalt  }
tec
execute0_lowered:
.L_overlay_start_1:
0x0: {  	(tag) =	ssettag $0x1  }
0x1: {  	s5 =	rddreg [dreg:$0x0]  }
0x2: {  	s2 =	rddreg [dreg:$0x1]  }
0x3: {  	s0 =	rddreg [dreg:$0x2];
	s3 =	simm.s32 $0x0  }
0x4: {  	s1 =	stileid.u32;
	s4 =	srdreg.scid;
	s12 =	simm.s32 $0x1  }
0x5: {  	s13 =	simm.s32 $0x80;
	s14 =	simm.s32 $0x5000;
	s6 =	smul.u32 $0xA00, s1  }
0x6: {  	[smem:$0x7FF] =	sst s3;
	s11 =	sand.u32 $0x1, s4;
	s8 =	smul.u32 $0x280, s1  }
0x7: {  	s4 =	sadd.s32 $0x2C000, s5;
	s15 =	sshll.u32 s1, $0x6;
	_ =	strace $0x80000047  }
.Ltmp0:
0x8: {  	s7 =	ssub.s32 $0x2, s11;
	p0 =	sne.s32 s11, $0x0;
	(pc) =	sbr.rel .LBB2_1-.Ltmp0, $4  }
0x9: {  	s11 =	simm.s32 $0x5080;
	s15 =	sor.u32 $0x1C01, s15;
	s9 =	sadd.s32 s6, s5  }
0xa: {  	s31 =	sshrl.u32 s7, $0x1;
	s5 =	sadd.s32 $0x2C600, s5;
	s6 =	sadd.s32 s8, s2  }
0xb: {  	s8 =	sshrl.u32 s8, $0x3;
	s10 =	ssub.s32 s7, s31;
	s7 =	sadd.s32 $0x4000, s9  }
0xc: {  	v0 =	vimm.f32 $1.000000000e+00;
	v1 =	vimm.f32 $0.0e+00;
	s9 =	sadd.s32 $0xE000, s9;
	s16 =	sshrl.u32 s6, $0x3;
	s10 =	smax.u32 s10, $0x1  }
.LBB2_7:
0xd: {  	[sflag:s12] =	ssyncadd.s32 $0xFFFFFF80;
	s17 =	smov.u32 s5  }
.LBB2_8:
0xe: {  	s3 =	sadd.s32 $0x1, s3  }
0xf: {  	p1 =	sne.s32 s3, s10  }
.Ltmp1:
0x10: {  	s17 =	sadd.s32 s17, s8;
	[bflag:$0x0] =	sbarrier.arrive $0xFFFF;
	(pc) =	sbr.rel @!p1 .LBB2_9-.Ltmp1, $4  }
0x11: {  	[hbm:s17], [sflag:s15] =	dma.local [spmem:s16], $0x50  }
0x12: {  	_ =	swait.ge [sflag:s12], $0x50  }
0x13: {  	[sflag:s12] =	ssyncset.done $0x0  }
0x14: {  	[sflag:s12] =	ssyncadd.s32 $0xFFFFFFB0  }
.LBB2_1:
0x15: {  	[tilespmem:$0x5000] =	vst v0  }
0x16: {  	[tilespmem:$0x5010] =	vst v0  }
0x17: {  	[tilespmem:$0x5020] =	vst v0  }
0x18: {  	[tilespmem:$0x5030] =	vst v0  }
0x19: {  	[tilespmem:$0x5040] =	vst v0  }
0x1a: {  	[tilespmem:$0x5050] =	vst v0  }
0x1b: {  	[tilespmem:$0x5060] =	vst v0  }
0x1c: {  	[tilespmem:$0x5070] =	vst v0  }
0x1d: {  	[tilespmem:$0x5080] =	vst v1  }
0x1e: {  	[tilespmem:$0x5090] =	vst v1  }
0x1f: {  	[tilespmem:$0x50A0] =	vst v1  }
0x20: {  	[tilespmem:$0x50B0] =	vst v1  }
0x21: {  	[tilespmem:$0x50C0] =	vst v1  }
0x22: {  	[tilespmem:$0x50D0] =	vst v1  }
0x23: {  	[tilespmem:$0x50E0] =	vst v1  }
0x24: {  	[tilespmem:$0x50F0] =	vst v1  }
0x25: {  	[tilespmem:$0x5100] =	vst v1  }
0x26: {  	[tilespmem:$0x5110] =	vst v1  }
0x27: {  	[tilespmem:$0x5120] =	vst v1  }
0x28: {  	[tilespmem:$0x5130] =	vst v1  }
0x29: {  	[tilespmem:$0x5140] =	vst v1  }
0x2a: {  	[tilespmem:$0x5150] =	vst v1  }
0x2b: {  	[tilespmem:$0x5160] =	vst v1  }
0x2c: {  	[tilespmem:$0x5170] =	vst v1  }
0x2d: {  	[tilespmem:$0x5180] =	vst v1  }
0x2e: {  	[tilespmem:$0x5190] =	vst v1  }
0x2f: {  	[tilespmem:$0x51A0] =	vst v1  }
0x30: {  	[tilespmem:$0x51B0] =	vst v1  }
0x31: {  	[tilespmem:$0x51C0] =	vst v1  }
0x32: {  	[tilespmem:$0x51D0] =	vst v1  }
0x33: {  	[tilespmem:$0x51E0] =	vst v1  }
0x34: {  	[tilespmem:$0x51F0] =	vst v1  }
0x35: {  	[tilespmem:$0x5200] =	vst v1  }
0x36: {  	[tilespmem:$0x5210] =	vst v1  }
0x37: {  	[tilespmem:$0x5220] =	vst v1  }
0x38: {  	[tilespmem:$0x5230] =	vst v1  }
0x39: {  	[tilespmem:$0x5240] =	vst v1  }
0x3a: {  	[tilespmem:$0x5250] =	vst v1  }
0x3b: {  	[tilespmem:$0x5260] =	vst v1  }
0x3c: {  	[tilespmem:$0x5270] =	vst v1  }
0x3d: {  	[tilespmem:$0x5280] =	vst v1  }
0x3e: {  	[tilespmem:$0x5290] =	vst v1  }
0x3f: {  	[tilespmem:$0x52A0] =	vst v1  }
0x40: {  	[tilespmem:$0x52B0] =	vst v1  }
0x41: {  	[tilespmem:$0x52C0] =	vst v1  }
0x42: {  	[tilespmem:$0x52D0] =	vst v1  }
0x43: {  	[tilespmem:$0x52E0] =	vst v1  }
0x44: {  	[tilespmem:$0x52F0] =	vst v1  }
0x45: {  	[spmem:s6] =	stream.linear.scatter [tilespmem:s11], [sflag:$0x1], $0x280, $0x38;
	[tilespmem:$0x5580] =	vst v63  }
.Ltmp2:
0x46: {  	_ =	swait.ge [sflag:s12], $0x280;
	(pc) =	sbr.rel @p0 .LBB2_5-.Ltmp2, $4  }
0x47: {  	[sflag:s12] =	ssyncset.done $0x0  }
0x48: {  	[sflag:s12] =	ssyncadd.s32 $0xFFFFFD80  }
0x49: {  	[bflag:$0x0] =	sbarrier.arrive $0xFFFF  }
0x4a: {  	s17 =	simm.s32 $0x0  }
0x4b: {  	[tilespmem:s17], [sflag:$0x1] =	stream.linear.gather [hbm4b:s9+s17], $0x5000, $0x38;
	[tilespmem:$0x5580] =	vst v63  }
0x4c: {  	_ =	swait.ge [sflag:s12], $0x5000  }
0x4d: {  	[sflag:s12] =	ssyncset.done $0x0  }
0x4e: {  	s31 =	simm.s32 $0x0;
	[sflag:s12] =	ssyncadd.s32 $0xFFFFB000  }
0x4f: {  	[spmem:s2] =	stream.indirect.scatter.add.f32 [tilespmem:s14], [sflag:$0x1], $0x1, s31, s13, $0xb8;
	[tilespmem:$0x5580] =	vst v63  }
0x50: {  	_ =	swait.ge [sflag:s12], $0x80  }
0x51: {  	s17 =	simm.s32 $0x200;
	[sflag:s12] =	ssyncset.done $0x0  }
.LBB2_3:
0x52: {  	s18 =	sshra.s32 s17, $0x2;
	[sflag:s12] =	ssyncadd.s32 $0xFFFFFF80;
	p1 =	seq.s32 s17, $0x13E00  }
0x53: {  	[spmem:s2] =	stream.indirect.scatter.add.f32 [tilespmem:s14], [sflag:$0x1], $0x1, s18, s13, $0xb8;
	[tilespmem:$0x5580] =	vst v63  }
.Ltmp3:
0x54: {  	_ = 	snop;
	(pc) =	sbr.rel @!p1 .LBB2_3-.Ltmp3, $4  }
0x55: {  	_ = 	snop  }
0x56: {  	s17 =	sadd.s32 $0x200, s17  }
0x57: {  	_ =	swait.ge [sflag:s12], $0x80  }
0x58: {  	[sflag:s12] =	ssyncset.done $0x0  }
.Ltmp4:
0x59: {  	(pc) =	sbr.rel .LBB2_8-.Ltmp4, $2  }
0x5a: {  	_ =	sdelay $0x2  }
0x5b: {  	[sflag:s12] =	ssyncadd.s32 $0xFFFFFF80;
	s17 =	smov.u32 s4  }
.LBB2_5:
0x5c: {  	[tilespmem:s17], [sflag:$0x1] =	stream.linear.gather [hbm4b:s7+s17], $0x5000, $0x38;
	[tilespmem:$0x5580] =	vst v63  }
0x5d: {  	_ =	swait.ge [sflag:s12], $0x5000  }
0x5e: {  	[sflag:s12] =	ssyncset.done $0x0  }
0x5f: {  	s31 =	simm.s32 $0x0;
	[sflag:s12] =	ssyncadd.s32 $0xFFFFB000  }
0x60: {  	[spmem:s2] =	stream.indirect.scatter.add.f32 [tilespmem:s14], [sflag:$0x1], $0x1, s31, s13, $0xb8;
	[tilespmem:$0x5580] =	vst v63  }
0x61: {  	_ =	swait.ge [sflag:s12], $0x80  }
0x62: {  	s17 =	simm.s32 $0x200;
	[sflag:s12] =	ssyncset.done $0x0  }
.LBB2_6:
0x63: {  	s18 =	sshra.s32 s17, $0x2;
	[sflag:s12] =	ssyncadd.s32 $0xFFFFFF80;
	p1 =	sne.s32 s17, $0x13E00  }
0x64: {  	[spmem:s2] =	stream.indirect.scatter.add.f32 [tilespmem:s14], [sflag:$0x1], $0x1, s18, s13, $0xb8;
	[tilespmem:$0x5580] =	vst v63  }
.Ltmp5:
0x65: {  	_ = 	snop;
	(pc) =	sbr.rel @p1 .LBB2_6-.Ltmp5, $4  }
0x66: {  	_ = 	snop  }
0x67: {  	s17 =	sadd.s32 $0x200, s17  }
0x68: {  	_ =	swait.ge [sflag:s12], $0x80  }
0x69: {  	[sflag:s12] =	ssyncset.done $0x0  }
.Ltmp6:
0x6a: {  	_ = 	snop;
	(pc) =	sbr.rel .LBB2_7-.Ltmp6, $1  }
0x6b: {  	_ =	sdelay $0x3  }
.LBB2_9:
0x6c: {  	_ =	sfence.sel $0x180000  }
0x6d: {  	[bflag:$0x0] =	sbarrier.arrive $0xFFFF  }
0x6e: {  	p0 =	sne.s32 s1, $0x0;
	_ =	strace $0x90000047  }
0x6f: {  	s0 =	sadd.s32 @!p0 $0x100000, s0;
	[bflag:$0x2] =	sbarrier.arrive $0xFFFF  }
0x70: {  	[sflag:s0] =	ssyncadd.tile.s32 @!p0 $0x1;
	_ =	shalt  }
.Lfunc_end2:
_tile_overlayer_lowered:
.L_overlay_start_2:
0x71: {  	(tag) =	ssettag $0x2  }
0x72: {  	s0 =	rddreg [dreg:$0x0];
	s2 =	stileid.u32  }
0x73: {  	s1 =	rddreg [dreg:$0x1];
	p0 =	sne.s32 s2, $0x0  }
0x74: {  	s3 =	rddreg [dreg:$0x2];
	[bflag:$0x3] =	sbarrier.arrive $0xFFFF;
	s2 =	simm.s32 @!p0 $0x1C01  }
0x75: {  	[timem:s3], [sflag:s2] =	dma.local @!p0 [hbm:s0], s1  }
0x76: {  	s0 =	simm.s32 @!p0 $0x1  }
0x77: {  	_ =	swait.ge @!p0 [sflag:s0], s1  }
0x78: {  	s1 =	ssub.s32 @!p0 $0x0, s1;
	[sflag:s0] =	ssyncset.done @!p0 $0x0  }
0x79: {  	[sflag:s0] =	ssyncadd.s32 @!p0 s1  }
0x7a: {  	[bflag:$0x3] =	sbarrier.arrive $0xFFFF  }
0x7b: {  	_ =	shalt  }

// kernel: kernel.9.cloned.1.call-start
scs
__scs_entry_jumppad:
0x0: {  	(pc) =	sbr.rel $0x88, $3  }
0x1: {  	(tag) =	ssettag $0x0;
	lr =	simm.s32 $0x1  }
0x2: {  	[smem:$0x3F91] =	sst lr;
	_ =	strace $0xD0000000  }
0x3: {  	_ = 	snop  }
0x4: {  	_ = 	snop  }
0x5: {  	_ = 	snop  }
0x6: {  	_ = 	snop  }
0x7: {  	_ = 	snop  }
__scs_overlays_trampoline_lowered:
0x8: {  	[smem:$0x3FA0] =	sst s0  }
0x9: {  	[smem:$0x3FA1] =	sst s1  }
0xa: {  	[smem:$0x3FA2] =	sst s2  }
0xb: {  	[smem:$0x3FA3] =	sst s3  }
0xc: {  	[smem:$0x3FA4] =	sst s4  }
0xd: {  	[smem:$0x3FA5] =	sst s5  }
0xe: {  	[smem:$0x3FA6] =	sst s6  }
0xf: {  	[smem:$0x3FA7] =	sst s7  }
0x10: {  	[smem:$0x3FA8] =	sst s8  }
0x11: {  	[smem:$0x3FA9] =	sst s9;
	s0 =	simm.s32 @!p0 $0x0  }
0x12: {  	s1 =	sld [smem:$0x3F8F];
	s0 =	simm.s32 @p0 $0x1  }
0x13: {  	[smem:$0x3FAA] =	sst s0;
	s0 =	simm.s32 @!p1 $0x0  }
0x14: {  	s2 =	sld [smem:$0x3F8E];
	s0 =	simm.s32 @p1 $0x1  }
0x15: {  	[smem:$0x3FAB] =	sst s0;
	s0 =	simm.s32 @!p2 $0x0  }
0x16: {  	s3 =	sld [smem:$0x3FDB];
	s0 =	simm.s32 @p2 $0x1  }
0x17: {  	s4 =	simm.s32 $0x1BF5;
	[smem:$0x3FAD] =	sst s0  }
0x18: {  	s0 =	sld [smem:$0x3F90];
	_ =	swait.ge [sflag:s4], $0x0  }
0x19: {  	s7 =	sld [smem:$0x3F91]  }
0x1a: {  	s8 =	sadd.s32 $0xFFFFE003, lr  }
0x1b: {  	s9 =	sadd.s32 $0xFFFFFEF7, lr;
	s5 =	simm.s32 $0xFFFFFFFF;
	p2 =	slt.u32 s8, $0xFFFFF086  }
0x1c: {  	p1 =	slt.u32 s9, $0xF7A;
	s5 =	simm.s32 @!p2 $0x0  }
0x1d: {  	s5 =	simm.s32 @p1 $0x1;
	p0 =	seq.s32 s7, s2  }
0x1e: {  	s7 =	smul.u32 @!p0 $0xF7A, s2;
	p2 =	seq.s32 @!p0 s5, $0x0  }
0x1f: {  	s9 =	smul.u32 $0xF7A, s1;
	s8 =	simm.s32 @!p0 $0x1BF5;
	p2 =	por !p2, p0  }
0x20: {  	[sflag:s8] =	ssyncset.s32 @!p0 $0xFFFFF086;
	s6 =	sadd.s32 @!p0 s3, s7;
	s7 =	simm.s32 @!p0 $0x108  }
0x21: {  	s3 =	sadd.s32 s3, s9;
	s6 =	sadd.s32 @!p0 $0x88, s6;
	s7 =	simm.s32 @p2 $0x1082  }
0x22: {  	[simem:s7], [sflag:s8] =	dma.local @!p0 [hbm:s6], $0xF7A  }
0x23: {  	s9 =	sor.u32 $0xD0000000, s2;
	s6 =	simm.s32 $0x108;
	_ =	swait.ge @!p0 [sflag:s8], $0x0  }
0x24: {  	s3 =	sadd.s32 $0x88, s3;
	s6 =	simm.s32 @!p1 $0x1082;
	[sflag:s4] =	ssyncset.s32 $0xFFFFF086  }
0x25: {  	[simem:s6], [sflag:s4] =	dma.local [hbm:s3], $0xF7A  }
0x26: {  	[smem:$0x3F91] =	sst s1;
	(tag) =	ssettag s2;
	_ =	strace s9  }
0x27: {  	s1 =	sld [smem:$0x3FA1]  }
0x28: {  	s2 =	sld [smem:$0x3FA2]  }
0x29: {  	s4 =	sld [smem:$0x3FA4]  }
0x2a: {  	p0 =	seq.s32 s5, $0x0;
	s5 =	sld [smem:$0x3FA5]  }
0x2b: {  	s6 =	sld [smem:$0x3FA6]  }
0x2c: {  	s7 =	sld [smem:$0x3FA7]  }
0x2d: {  	s3 =	simm.s32 $0x108;
	s8 =	sld [smem:$0x3FA8]  }
0x2e: {  	s3 =	simm.s32 @!p0 $0x1082;
	s9 =	sld [smem:$0x3FA9]  }
0x2f: {  	lr =	sadd.s32 s0, s3;
	s0 =	sld [smem:$0x3FA0]  }
0x30: {  	s3 =	sld [smem:$0x3FA3]  }
0x31: {  	[smem:$0x3FAC] =	sst s10  }
0x32: {  	s10 =	sld [smem:$0x3FAA];
	_ =	sdelay $0x3  }
0x33: {  	p0 =	seq.s32 s10, $0x1;
	s10 =	sld [smem:$0x3FAC];
	_ =	sdelay $0x3  }
0x34: {  	[smem:$0x3FAC] =	sst s10  }
0x35: {  	s10 =	sld [smem:$0x3FAB];
	_ =	sdelay $0x3  }
0x36: {  	p1 =	seq.s32 s10, $0x1;
	s10 =	sld [smem:$0x3FAC];
	_ =	sdelay $0x3  }
0x37: {  	[smem:$0x3FAC] =	sst s10  }
0x38: {  	s10 =	sld [smem:$0x3FAD]  }
0x39: {  	_ = 	snop;
	(pc) =	sbr.ind lr, $3  }
0x3a: {  	_ = 	snop  }
0x3b: {  	_ = 	snop  }
0x3c: {  	p2 =	seq.s32 s10, $0x1;
	s10 =	sld [smem:$0x3FAC]  }
0x3d: {  	_ =	shalt  }
0x3e: {  	_ =	shalt  }
0x3f: {  	_ =	shalt  }
0x40: {  	_ =	shalt  }
0x41: {  	_ =	shalt  }
0x42: {  	_ =	shalt  }
0x43: {  	_ =	shalt  }
0x44: {  	_ =	shalt  }
0x45: {  	_ =	shalt  }
0x46: {  	_ =	shalt  }
0x47: {  	_ =	shalt  }
0x48: {  	_ =	shalt  }
0x49: {  	_ =	shalt  }
0x4a: {  	_ =	shalt  }
0x4b: {  	_ =	shalt  }
0x4c: {  	_ =	shalt  }
0x4d: {  	_ =	shalt  }
0x4e: {  	_ =	shalt  }
0x4f: {  	_ =	shalt  }
0x50: {  	_ =	shalt  }
0x51: {  	_ =	shalt  }
0x52: {  	_ =	shalt  }
0x53: {  	_ =	shalt  }
0x54: {  	_ =	shalt  }
0x55: {  	_ =	shalt  }
0x56: {  	_ =	shalt  }
0x57: {  	_ =	shalt  }
0x58: {  	_ =	shalt  }
0x59: {  	_ =	shalt  }
0x5a: {  	_ =	shalt  }
0x5b: {  	_ =	shalt  }
0x5c: {  	_ =	shalt  }
0x5d: {  	_ =	shalt  }
0x5e: {  	_ =	shalt  }
0x5f: {  	_ =	shalt  }
0x60: {  	_ =	shalt  }
0x61: {  	_ =	shalt  }
0x62: {  	_ =	shalt  }
0x63: {  	_ =	shalt  }
0x64: {  	_ =	shalt  }
0x65: {  	_ =	shalt  }
0x66: {  	_ =	shalt  }
0x67: {  	_ =	shalt  }
0x68: {  	_ =	shalt  }
0x69: {  	_ =	shalt  }
0x6a: {  	_ =	shalt  }
0x6b: {  	_ =	shalt  }
0x6c: {  	_ =	shalt  }
0x6d: {  	_ =	shalt  }
0x6e: {  	_ =	shalt  }
0x6f: {  	_ =	shalt  }
0x70: {  	_ =	shalt  }
0x71: {  	_ =	shalt  }
0x72: {  	_ =	shalt  }
0x73: {  	_ =	shalt  }
0x74: {  	_ =	shalt  }
0x75: {  	_ =	shalt  }
0x76: {  	_ =	shalt  }
0x77: {  	_ =	shalt  }
0x78: {  	_ =	shalt  }
0x79: {  	_ =	shalt  }
0x7a: {  	_ =	shalt  }
0x7b: {  	_ =	shalt  }
0x7c: {  	_ =	shalt  }
0x7d: {  	_ =	shalt  }
0x7e: {  	_ =	shalt  }
0x7f: {  	_ =	shalt  }
0x80: {  	_ =	shalt  }
0x81: {  	_ =	shalt  }
0x82: {  	_ =	shalt  }
0x83: {  	_ =	shalt  }
0x84: {  	_ =	shalt  }
0x85: {  	_ =	shalt  }
0x86: {  	_ =	shalt  }
0x87: {  	_ =	shalt  }
.Lfunc_end0:
.L_simem_size_0:
called_computation.1_lowered:
.L_overlay_start_0:
0x88: {  	s2 =	sld [smem:$0x3FD9]  }
0x89: {  	s3 =	sld [smem:$0x3FFE];
	_ =	sdelay $0x1  }
0x8a: {  	s1 =	srdreg.scid  }
0x8b: {  	s0 =	sand.u32 $0x1, s1  }
0x8c: {  	s16 =	sshll.u32 s0, $0xA;
	s2 =	sadd.s32 s3, s2  }
0x8d: {  	s2 =	sadd.s32 s2, s16  }
0x8e: {  	[smem:$0x3FB8] =	sst s2  }
0x8f: {  	_ = 	snop  }
0x90: {  	(tm) =	ssettm $0x1  }
0x91: {  	s17 =	sld [smem:$0x3FFB];
	_ =	sdelay $0x3  }
0x92: {  	_ =	strace s17  }
0x93: {  	s2 =	sld [smem:$0x3FFC];
	_ =	sdelay $0x3  }
0x94: {  	_ =	strace s2  }
0x95: {  	s2 =	sld [smem:$0x3FFD];
	_ =	sdelay $0x3  }
0x96: {  	_ =	strace s2  }
0x97: {  	_ =	strace $0x8FFFFFFF  }
0x98: {  	s18 =	sld [smem:$0x3FDB];
	_ =	sdelay $0x1  }
0x99: {  	s19 =	simm.s32 $_scs_section_size  }
0x9a: {  	s4 =	simm.s32 $_size__tile_overlayer_lowered;
	s5 =	simm.s32 $_tile_overlayer_lowered  }
0x9b: {  	s22 =	simm.s32 $0x1BFF;
	s21 =	sshll.u32 s5, $0x1;
	s2 =	sadd.s32 s19, s18  }
0x9c: {  	s6 =	simm.s32 $0x0;
	s20 =	sshll.u32 s4, $0x1;
	s4 =	sadd.s32 s21, s2  }
0x9d: {  	[timem:s6], [sflag:s22] =	dma.local [hbm:s4], s20  }
0x9e: {  	_ =	swait.ge [sflag:s22], s20  }
0x9f: {  	s3 =	ssub.s32 $0x0, s20;
	[sflag:s22] =	ssyncset.done $0x0  }
0xa0: {  	[sflag:s22] =	ssyncadd.s32 s3;
	_ =	sdelay $0x1  }
0xa1: {  	s23 =	simm.s32 $0x1B8B  }
0xa2: {  	_ =	swait.ge [sflag:s23], $0x1  }
0xa3: {  	[sflag:s23] =	ssyncset.done $0x0  }
0xa4: {  	s25 =	simm.s32 $0x1B8E;
	s24 =	sld [smem:$0x3FFE];
	[sflag:s23] =	ssyncadd.s32 $0xFFFFFFFF  }
0xa5: {  	s26 =	simm.s32 $execute0_lowered;
	[smem:$0x3FD2] =	sst s25  }
0xa6: {  	s4 =	sshll.u32 s26, $0x1;
	_ =	strace $0x80000049;
	[dreg:$0x1] =	wrdreg $0xFFFFFFFF  }
0xa7: {  	s28 =	simm.s32 $_size_execute0_lowered;
	s2 =	sadd.s32 s2, s4;
	[dreg:$0x0] =	wrdreg $0x0  }
0xa8: {  	s4 =	sshll.u32 s28, $0x1;
	[dreg:$0x2] =	wrdreg s2  }
0xa9: {  	[dreg:$0x3] =	wrdreg s4  }
0xaa: {  	[dreg:$0x4] =	wrdreg $0xC0  }
0xab: {  	_ =	task [dreg:s6], $0x5FFFF  }
0xac: {  	[dreg:$0x1] =	wrdreg $0xFFFFFFFF  }
0xad: {  	[dreg:$0x0] =	wrdreg $0x60  }
0xae: {  	[dreg:$0x2] =	wrdreg s24  }
0xaf: {  	[dreg:$0x3] =	wrdreg $0x41000  }
0xb0: {  	[dreg:$0x4] =	wrdreg $0x9  }
0xb1: {  	_ =	task.clear_ibuf [dreg:s6], $0x5FFFF;
	_ =	strace $0x90000049  }
0xb2: {  	s29 =	simm.s32 $0x9;
	_ =	strace $0x8000004B  }
0xb3: {  	_ =	swait.ge [sflag:s29], $0x1  }
0xb4: {  	[sflag:s29] =	ssyncadd.s32 $0xFFFFFFFF  }
0xb5: {  	_ =	strace $0x9000004B  }
0xb6: {  	_ =	sfence  }
0xb7: {  	s30 =	sld [smem:$0x0];
	_ =	sdelay $0x2  }
0xb8: {  	s31 =	sshll.u32 s1, $0xD;
	s1 =	sshrl.u32 s1, $0x2  }
0xb9: {  	s3 =	sand.u32 $0x4000, s31;
	s1 =	sadd.s32 s1, s30  }
0xba: {  	s0 =	sor.u32 s3, s0;
	s1 =	sshll.u32 s1, $0x11  }
0xbb: {  	s0 =	sor.u32 s1, s0  }
0xbc: {  	s0 =	sadd.s32 $0x8F2B, s0  }
0xbd: {  	[sflag:s0] =	ssyncadd.remote.s32 $0x1  }
0xbe: {  	_ =	sfence.sel $0xFFFF  }
0xbf: {  	[dreg:$0x0] =	wrdreg $0xFFFFFFFF;
	(pc) =	sbr.abs _section_cstart, $3  }
0xc0: {  	[dreg:$0x1] =	wrdreg $0xFFFFFFFF  }
0xc1: {  	_ =	task.clear_ibuf [dreg:s6], $0x2FFFF;
	_ =	strace $0x9FFFFFFF  }
0xc2: {  	(tm) =	ssettm $0x7FFFFFFF  }
0xc3: {  	_ =	shalt  }
tec
execute0_lowered:
.L_overlay_start_1:
0x0: {  	(tag) =	ssettag $0x1  }
0x1: {  	s8 =	rddreg [dreg:$0x0]  }
0x2: {  	s2 =	rddreg [dreg:$0x1]  }
0x3: {  	s0 =	rddreg [dreg:$0x2];
	s3 =	simm.s32 $0x0;
	s1 =	stileid.u32  }
0x4: {  	s7 =	srdreg.scid;
	s18 =	simm.s32 $0x80;
	s19 =	simm.s32 $0x100  }
0x5: {  	s20 =	simm.s32 $0x1;
	s21 =	simm.s32 $0x0;
	[smem:$0x7FF] =	sst s3  }
0x6: {  	s6 =	smul.u32 $0xA00, s1;
	s4 =	sadd.s32 $0x67E00, s8;
	s5 =	sadd.s32 $0x8F000, s8  }
0x7: {  	s16 =	sand.u32 $0x1, s7;
	s10 =	smul.u32 $0x50000, s1;
	s7 =	sadd.s32 $0xB6200, s8  }
0x8: {  	s31 =	sshll.u32 s1, $0x6;
	_ =	strace $0x8000004A;
	s9 =	ssub.s32 $0x2, s16  }
0x9: {  	p0 =	sne.s32 s16, $0x0;
	s15 =	sadd.s32 s6, s8;
	s6 =	sadd.s32 $0x4000, s8  }
.Ltmp0:
0xa: {  	s8 =	sadd.s32 $0xDE200, s8;
	s11 =	sshrl.u32 s9, $0x1;
	(pc) =	sbr.rel .LBB2_1-.Ltmp0, $4  }
0xb: {  	s30 =	sshrl.u32 s10, $0x2;
	s10 =	smul.u32 $0x2800, s1;
	s11 =	ssub.s32 s9, s11  }
0xc: {  	s17 =	sadd.s32 s30, s2;
	s9 =	sor.u32 $0x1C02, s31;
	s12 =	sadd.s32 $0x18000, s15  }
0xd: {  	s13 =	sadd.s32 $0x36C00, s15;
	s14 =	sadd.s32 $0x22000, s15;
	s15 =	sadd.s32 $0x2CC00, s15  }
0xe: {  	s11 =	smax.u32 s11, $0x1;
	s16 =	sshrl.u32 s17, $0x3;
	s17 =	simm.s32 $0x2  }
.LBB2_7:
0xf: {  	s23 =	sadd.s32 s22, s13;
	[sflag:s17] =	ssyncadd.s32 $0xFFFFC000  }
0x10: {  	[tilespmem:s3], [sflag:$0x2] =	stream.linear.gather [hbm4b:s23+s3], $0x80, $0x38;
	[tilespmem:$0x18100] =	vst v63  }
0x11: {  	_ =	swait.ge [sflag:s17], $0x80  }
0x12: {  	[sflag:s17] =	ssyncset.done $0x0  }
0x13: {  	s31 =	sadd.s32 s22, s12;
	[sflag:s17] =	ssyncadd.s32 $0xFFFFFF80  }
0x14: {  	[tilespmem:s18], [sflag:$0x2] =	stream.linear.gather [hbm4b:s31+s3], $0x80, $0x38;
	[tilespmem:$0x18100] =	vst v63  }
0x15: {  	_ =	swait.ge [sflag:s17], $0x80  }
0x16: {  	[sflag:s17] =	ssyncset.done $0x0  }
0x17: {  	[sflag:s17] =	ssyncadd.s32 $0xFFFFFF80  }
0x18: {  	[tilespmem:s19], [sflag:$0x1] =	stream.indirect.gather [hbm4b:s5+s18], $0x80, s3, s18, $0xb8;
	[tilespmem:$0x18100] =	vst v63  }
0x19: {  	_ =	swait.ge [sflag:s20], $0x4000  }
0x1a: {  	[sflag:s20] =	ssyncset.done $0x0  }
0x1b: {  	[sflag:s20] =	ssyncadd.s32 $0xFFFFC000  }
0x1c: {  	[spmem:s2] =	stream.indirect.scatter.add.f32 [tilespmem:s19], [sflag:$0x2], $0x80, s18, s18, $0xb8;
	[tilespmem:$0x18100] =	vst v63  }
0x1d: {  	_ =	swait.ge [sflag:s17], $0x4000  }
0x1e: {  	[sflag:s17] =	ssyncset.done $0x0  }
0x1f: {  	s22 =	smov.u32 s8;
	[sflag:s17] =	ssyncadd.s32 $0xFFFFC000  }
.LBB2_8:
0x20: {  	s21 =	sadd.s32 $0x1, s21  }
0x21: {  	p1 =	sne.s32 s21, s11  }
.Ltmp1:
0x22: {  	s22 =	sadd.s32 s22, s10;
	[bflag:$0x0] =	sbarrier.arrive $0xFFFF;
	(pc) =	sbr.rel @!p1 .LBB2_9-.Ltmp1, $4  }
0x23: {  	[hbm:s22], [sflag:s9] =	dma.local [spmem:s16], $0x2800  }
0x24: {  	_ =	swait.ge [sflag:s17], $0x2800  }
0x25: {  	[sflag:s17] =	ssyncset.done $0x0  }
0x26: {  	[sflag:s17] =	ssyncadd.s32 $0xFFFFD800  }
.LBB2_1:
0x27: {  	[spmem:s16], [sflag:s9] =	dma.local [hbm:s6], $0x2800  }
.Ltmp2:
0x28: {  	_ =	swait.ge [sflag:s17], $0x2800;
	(pc) =	sbr.rel @p0 .LBB2_5-.Ltmp2, $3  }
0x29: {  	[sflag:s17] =	ssyncset.done $0x0  }
0x2a: {  	[sflag:s17] =	ssyncadd.s32 $0xFFFFD800  }
0x2b: {  	[bflag:$0x0] =	sbarrier.arrive $0xFFFF;
	_ =	sdelay $0x1  }
0x2c: {  	s22 =	sadd.s32 $0x0, s15  }
0x2d: {  	[tilespmem:s3], [sflag:$0x2] =	stream.linear.gather [hbm4b:s22+s3], $0x80, $0x38;
	[tilespmem:$0x18100] =	vst v63  }
0x2e: {  	_ =	swait.ge [sflag:s17], $0x80  }
0x2f: {  	[sflag:s17] =	ssyncset.done $0x0  }
0x30: {  	s31 =	sadd.s32 $0x0, s14;
	[sflag:s17] =	ssyncadd.s32 $0xFFFFFF80  }
0x31: {  	[tilespmem:s18], [sflag:$0x2] =	stream.linear.gather [hbm4b:s31+s3], $0x80, $0x38;
	[tilespmem:$0x18100] =	vst v63  }
0x32: {  	_ =	swait.ge [sflag:s17], $0x80  }
0x33: {  	[sflag:s17] =	ssyncset.done $0x0  }
0x34: {  	[sflag:s17] =	ssyncadd.s32 $0xFFFFFF80  }
0x35: {  	[tilespmem:s19], [sflag:$0x1] =	stream.indirect.gather [hbm4b:s4+s18], $0x80, s3, s18, $0xb8;
	[tilespmem:$0x18100] =	vst v63  }
0x36: {  	_ =	swait.ge [sflag:s20], $0x4000  }
0x37: {  	[sflag:s20] =	ssyncset.done $0x0  }
0x38: {  	[sflag:s20] =	ssyncadd.s32 $0xFFFFC000  }
0x39: {  	[spmem:s2] =	stream.indirect.scatter.add.f32 [tilespmem:s19], [sflag:$0x2], $0x80, s18, s18, $0xb8;
	[tilespmem:$0x18100] =	vst v63  }
0x3a: {  	_ =	swait.ge [sflag:s17], $0x4000  }
0x3b: {  	s23 =	simm.s32 $0x20;
	s22 =	simm.s32 $0x10;
	[sflag:s17] =	ssyncset.done $0x0  }
.LBB2_3:
0x3c: {  	s24 =	sadd.s32 s22, s15  }
0x3d: {  	[sflag:s17] =	ssyncadd.s32 $0xFFFFC000;
	s25 =	smov.u32 s23;
	s26 =	sadd.s32 $0x10, s23  }
0x3e: {  	[tilespmem:s3], [sflag:$0x2] =	stream.linear.gather [hbm4b:s24+s3], $0x80, $0x38;
	[tilespmem:$0x18100] =	vst v63  }
0x3f: {  	p1 =	seq.s32 s23, $0x9F0;
	_ =	swait.ge [sflag:s17], $0x80  }
0x40: {  	[sflag:s17] =	ssyncset.done $0x0  }
0x41: {  	s23 =	sadd.s32 s22, s14;
	s22 =	smov.u32 s25;
	[sflag:s17] =	ssyncadd.s32 $0xFFFFFF80  }
0x42: {  	[tilespmem:s18], [sflag:$0x2] =	stream.linear.gather [hbm4b:s23+s3], $0x80, $0x38;
	[tilespmem:$0x18100] =	vst v63  }
0x43: {  	_ =	swait.ge [sflag:s17], $0x80  }
0x44: {  	[sflag:s17] =	ssyncset.done $0x0  }
0x45: {  	[sflag:s17] =	ssyncadd.s32 $0xFFFFFF80  }
0x46: {  	[tilespmem:s19], [sflag:$0x1] =	stream.indirect.gather [hbm4b:s4+s18], $0x80, s3, s18, $0xb8;
	[tilespmem:$0x18100] =	vst v63  }
0x47: {  	_ =	swait.ge [sflag:s20], $0x4000  }
.Ltmp3:
0x48: {  	[sflag:s20] =	ssyncset.done $0x0;
	(pc) =	sbr.rel @!p1 .LBB2_3-.Ltmp3, $4  }
0x49: {  	[sflag:s20] =	ssyncadd.s32 $0xFFFFC000  }
0x4a: {  	[spmem:s2] =	stream.indirect.scatter.add.f32 [tilespmem:s19], [sflag:$0x2], $0x80, s18, s18, $0xb8;
	[tilespmem:$0x18100] =	vst v63  }
0x4b: {  	_ =	swait.ge [sflag:s17], $0x4000  }
0x4c: {  	s23 =	smov.u32 s26;
	[sflag:s17] =	ssyncset.done $0x0  }
0x4d: {  	s23 =	sadd.s32 s22, s15;
	[sflag:s17] =	ssyncadd.s32 $0xFFFFC000  }
0x4e: {  	[tilespmem:s3], [sflag:$0x2] =	stream.linear.gather [hbm4b:s23+s3], $0x80, $0x38;
	[tilespmem:$0x18100] =	vst v63  }
0x4f: {  	_ =	swait.ge [sflag:s17], $0x80  }
0x50: {  	[sflag:s17] =	ssyncset.done $0x0  }
0x51: {  	s31 =	sadd.s32 s22, s14;
	[sflag:s17] =	ssyncadd.s32 $0xFFFFFF80  }
0x52: {  	[tilespmem:s18], [sflag:$0x2] =	stream.linear.gather [hbm4b:s31+s3], $0x80, $0x38;
	[tilespmem:$0x18100] =	vst v63  }
0x53: {  	_ =	swait.ge [sflag:s17], $0x80  }
0x54: {  	[sflag:s17] =	ssyncset.done $0x0  }
0x55: {  	[sflag:s17] =	ssyncadd.s32 $0xFFFFFF80  }
0x56: {  	[tilespmem:s19], [sflag:$0x1] =	stream.indirect.gather [hbm4b:s4+s18], $0x80, s3, s18, $0xb8;
	[tilespmem:$0x18100] =	vst v63  }
0x57: {  	_ =	swait.ge [sflag:s20], $0x4000  }
0x58: {  	[sflag:s20] =	ssyncset.done $0x0  }
.Ltmp4:
0x59: {  	[sflag:s20] =	ssyncadd.s32 $0xFFFFC000;
	(pc) =	sbr.rel .LBB2_8-.Ltmp4, $4  }
0x5a: {  	[spmem:s2] =	stream.indirect.scatter.add.f32 [tilespmem:s19], [sflag:$0x2], $0x80, s18, s18, $0xb8;
	[tilespmem:$0x18100] =	vst v63  }
0x5b: {  	_ =	swait.ge [sflag:s17], $0x4000  }
0x5c: {  	[sflag:s17] =	ssyncset.done $0x0  }
0x5d: {  	s22 =	smov.u32 s7;
	[sflag:s17] =	ssyncadd.s32 $0xFFFFC000  }
.LBB2_5:
0x5e: {  	s22 =	sadd.s32 $0x0, s13  }
0x5f: {  	[tilespmem:s3], [sflag:$0x2] =	stream.linear.gather [hbm4b:s22+s3], $0x80, $0x38;
	[tilespmem:$0x18100] =	vst v63  }
0x60: {  	_ =	swait.ge [sflag:s17], $0x80  }
0x61: {  	[sflag:s17] =	ssyncset.done $0x0  }
0x62: {  	s31 =	sadd.s32 $0x0, s12;
	[sflag:s17] =	ssyncadd.s32 $0xFFFFFF80  }
0x63: {  	[tilespmem:s18], [sflag:$0x2] =	stream.linear.gather [hbm4b:s31+s3], $0x80, $0x38;
	[tilespmem:$0x18100] =	vst v63  }
0x64: {  	_ =	swait.ge [sflag:s17], $0x80  }
0x65: {  	[sflag:s17] =	ssyncset.done $0x0  }
0x66: {  	[sflag:s17] =	ssyncadd.s32 $0xFFFFFF80  }
0x67: {  	[tilespmem:s19], [sflag:$0x1] =	stream.indirect.gather [hbm4b:s5+s18], $0x80, s3, s18, $0xb8;
	[tilespmem:$0x18100] =	vst v63  }
0x68: {  	_ =	swait.ge [sflag:s20], $0x4000  }
0x69: {  	[sflag:s20] =	ssyncset.done $0x0  }
0x6a: {  	[sflag:s20] =	ssyncadd.s32 $0xFFFFC000  }
0x6b: {  	[spmem:s2] =	stream.indirect.scatter.add.f32 [tilespmem:s19], [sflag:$0x2], $0x80, s18, s18, $0xb8;
	[tilespmem:$0x18100] =	vst v63  }
0x6c: {  	_ =	swait.ge [sflag:s17], $0x4000  }
0x6d: {  	s23 =	simm.s32 $0x20;
	s22 =	simm.s32 $0x10;
	[sflag:s17] =	ssyncset.done $0x0  }
.LBB2_6:
0x6e: {  	s24 =	sadd.s32 s22, s13  }
0x6f: {  	[sflag:s17] =	ssyncadd.s32 $0xFFFFC000;
	s25 =	smov.u32 s23;
	s26 =	sadd.s32 $0x10, s23  }
0x70: {  	[tilespmem:s3], [sflag:$0x2] =	stream.linear.gather [hbm4b:s24+s3], $0x80, $0x38;
	[tilespmem:$0x18100] =	vst v63  }
0x71: {  	p1 =	sne.s32 s23, $0x9F0;
	_ =	swait.ge [sflag:s17], $0x80  }
0x72: {  	[sflag:s17] =	ssyncset.done $0x0  }
0x73: {  	s23 =	sadd.s32 s22, s12;
	s22 =	smov.u32 s25;
	[sflag:s17] =	ssyncadd.s32 $0xFFFFFF80  }
0x74: {  	[tilespmem:s18], [sflag:$0x2] =	stream.linear.gather [hbm4b:s23+s3], $0x80, $0x38;
	[tilespmem:$0x18100] =	vst v63  }
0x75: {  	_ =	swait.ge [sflag:s17], $0x80  }
0x76: {  	[sflag:s17] =	ssyncset.done $0x0  }
0x77: {  	[sflag:s17] =	ssyncadd.s32 $0xFFFFFF80  }
0x78: {  	[tilespmem:s19], [sflag:$0x1] =	stream.indirect.gather [hbm4b:s5+s18], $0x80, s3, s18, $0xb8;
	[tilespmem:$0x18100] =	vst v63  }
0x79: {  	_ =	swait.ge [sflag:s20], $0x4000  }
.Ltmp5:
0x7a: {  	[sflag:s20] =	ssyncset.done $0x0;
	(pc) =	sbr.rel @p1 .LBB2_6-.Ltmp5, $4  }
0x7b: {  	[sflag:s20] =	ssyncadd.s32 $0xFFFFC000  }
0x7c: {  	[spmem:s2] =	stream.indirect.scatter.add.f32 [tilespmem:s19], [sflag:$0x2], $0x80, s18, s18, $0xb8;
	[tilespmem:$0x18100] =	vst v63  }
0x7d: {  	_ =	swait.ge [sflag:s17], $0x4000  }
0x7e: {  	s23 =	smov.u32 s26;
	[sflag:s17] =	ssyncset.done $0x0  }
.Ltmp6:
0x7f: {  	_ = 	snop;
	(pc) =	sbr.rel .LBB2_7-.Ltmp6, $1  }
0x80: {  	_ =	sdelay $0x3  }
.LBB2_9:
0x81: {  	_ =	sfence.sel $0x180000  }
0x82: {  	[bflag:$0x0] =	sbarrier.arrive $0xFFFF  }
0x83: {  	p0 =	sne.s32 s1, $0x0;
	_ =	strace $0x9000004A  }
0x84: {  	s0 =	sadd.s32 @!p0 $0x100000, s0;
	[bflag:$0x2] =	sbarrier.arrive $0xFFFF  }
0x85: {  	[sflag:s0] =	ssyncadd.tile.s32 @!p0 $0x1;
	_ =	shalt  }
.Lfunc_end2:
_tile_overlayer_lowered:
.L_overlay_start_2:
0x86: {  	(tag) =	ssettag $0x2  }
0x87: {  	s0 =	rddreg [dreg:$0x0];
	s2 =	stileid.u32  }
0x88: {  	s1 =	rddreg [dreg:$0x1];
	p0 =	sne.s32 s2, $0x0  }
0x89: {  	s3 =	rddreg [dreg:$0x2];
	[bflag:$0x3] =	sbarrier.arrive $0xFFFF;
	s2 =	simm.s32 @!p0 $0x1C02  }
0x8a: {  	[timem:s3], [sflag:s2] =	dma.local @!p0 [hbm:s0], s1  }
0x8b: {  	s0 =	simm.s32 @!p0 $0x2  }
0x8c: {  	_ =	swait.ge @!p0 [sflag:s0], s1  }
0x8d: {  	s1 =	ssub.s32 @!p0 $0x0, s1;
	[sflag:s0] =	ssyncset.done @!p0 $0x0  }
0x8e: {  	[sflag:s0] =	ssyncadd.s32 @!p0 s1  }
0x8f: {  	[bflag:$0x3] =	sbarrier.arrive $0xFFFF  }
0x90: {  	_ =	shalt  }

</sc_bundles>
